<compile_context>
chip_gen: v7x
topology: tpu7x:2x2x1
jax: 0.10.2.dev20260603
libtpu: 0.0.44.dev20260713+nightly
codegen_flags: <defaults>
</compile_context>

<pallas_src>
import functools

import jax
import jax.numpy as jnp
from jax import lax
from jax.experimental import pallas as pl
from jax.experimental.pallas import tpu as pltpu
from jax.experimental.pallas import tpu_sc as plsc

N = 8388608
NBINS = 15
NSUB = 32
LANES = 16
CHUNK = N // NSUB
BLK = 8192
NBLK = CHUNK // BLK
TROWS = 16
UNROLL = 16


def _sc_body(pred, tgt, conf, out,
             pA, tA, cA, pB, tB, cB, acc_tab, conf_tab, cnt_tab,
             semA, semB):
    wid = lax.axis_index("c") * 16 + lax.axis_index("s")
    base0 = wid * CHUNK
    bufs = ((pA, tA, cA), (pB, tB, cB))
    sems = (semA, semB)

    def start_slot(slot, blk):
        base = base0 + blk * BLK
        pltpu.async_copy(pred.at[pl.ds(base, BLK)], bufs[slot][0], sems[slot])
        pltpu.async_copy(tgt.at[pl.ds(base, BLK)], bufs[slot][1], sems[slot])
        pltpu.async_copy(conf.at[pl.ds(base, BLK)], bufs[slot][2], sems[slot])

    def wait_slot(slot):
        pltpu.make_async_copy(pred.at[pl.ds(0, BLK)], bufs[slot][0], sems[slot]).wait()
        pltpu.make_async_copy(tgt.at[pl.ds(0, BLK)], bufs[slot][1], sems[slot]).wait()
        pltpu.make_async_copy(conf.at[pl.ds(0, BLK)], bufs[slot][2], sems[slot]).wait()

    zeros = jnp.zeros((LANES,), jnp.float32)
    for r in range(TROWS):
        acc_tab[pl.ds(r * LANES, LANES)] = zeros
        conf_tab[pl.ds(r * LANES, LANES)] = zeros
        cnt_tab[pl.ds(r * LANES, LANES)] = zeros

    lane = jnp.arange(LANES, dtype=jnp.int32)
    ones = jnp.full((LANES,), 1.0, jnp.float32)

    def make_inner(pbuf, tbuf, cbuf):
      def inner(i, carry):
        base = i * (LANES * UNROLL)
        ps, ts, cs = [], [], []
        for u in range(UNROLL):
            off = base + u * LANES
            ps.append(pbuf[pl.ds(off, LANES)])
            ts.append(tbuf[pl.ds(off, LANES)])
            cs.append(cbuf[pl.ds(off, LANES)])
        accs, fidxs = [], []
        for u in range(UNROLL):
            p, t, c = ps[u], ts[u], cs[u]
            accs.append((p - t) * (t - p))
            i0 = (c * 15.0).astype(jnp.int32)
            fidxs.append(i0 * LANES + lane)
        for u in range(UNROLL):
            plsc.addupdate_scatter(acc_tab, [fidxs[u]], accs[u])
            plsc.addupdate_scatter(conf_tab, [fidxs[u]], cs[u])
            plsc.addupdate_scatter(cnt_tab, [fidxs[u]], ones)
        return carry
      return inner

    inners = (make_inner(*bufs[0]), make_inner(*bufs[1]))
    nsteps = BLK // (LANES * UNROLL)

    start_slot(0, 0)
    start_slot(1, 1)

    def blk_pair(j, carry):
        blk = j * 2
        for slot in range(2):
            wait_slot(slot)
            carry = lax.fori_loop(0, nsteps, inners[slot], carry)
            nxt = blk + slot + 2
            start_slot(slot, jnp.where(nxt < NBLK, nxt, 0))
        return carry

    lax.fori_loop(0, NBLK // 2, blk_pair, 0)
    wait_slot(0)
    wait_slot(1)

    pltpu.sync_copy(acc_tab, out.at[wid, pl.ds(0, TROWS * LANES)])
    pltpu.sync_copy(conf_tab, out.at[wid, pl.ds(TROWS * LANES, TROWS * LANES)])
    pltpu.sync_copy(cnt_tab, out.at[wid, pl.ds(2 * TROWS * LANES, TROWS * LANES)])


_sc_ece = functools.partial(
    pl.kernel,
    mesh=plsc.VectorSubcoreMesh(core_axis_name="c", subcore_axis_name="s"),
    out_type=jax.ShapeDtypeStruct((NSUB, 3 * TROWS * LANES), jnp.float32),
    compiler_params=pltpu.CompilerParams(needs_layout_passes=False),
    scratch_types=[
        pltpu.VMEM((BLK,), jnp.float32),
        pltpu.VMEM((BLK,), jnp.float32),
        pltpu.VMEM((BLK,), jnp.float32),
        pltpu.VMEM((BLK,), jnp.float32),
        pltpu.VMEM((BLK,), jnp.float32),
        pltpu.VMEM((BLK,), jnp.float32),
        pltpu.VMEM((TROWS * LANES,), jnp.float32),
        pltpu.VMEM((TROWS * LANES,), jnp.float32),
        pltpu.VMEM((TROWS * LANES,), jnp.float32),
        pltpu.SemaphoreType.DMA,
        pltpu.SemaphoreType.DMA,
    ],
)(_sc_body)


def _finalize_body(pa, pc, pk, m, oece, oacc, oconf, oprop):
    dn = (((1,), (0,)), ((), ()))
    sa = jnp.sum(pa[...], axis=0, keepdims=True)
    sc_ = jnp.sum(pc[...], axis=0, keepdims=True)
    sk = jnp.sum(pk[...], axis=0, keepdims=True)
    acc_sum = lax.dot_general(sa, m[...], dn, preferred_element_type=jnp.float32)
    conf_sum = lax.dot_general(sc_, m[...], dn, preferred_element_type=jnp.float32)
    cnt = lax.dot_general(sk, m[...], dn, preferred_element_type=jnp.float32)
    nf = jnp.float32(N)
    prop = cnt / nf
    denom = jnp.maximum(cnt, 1.0)
    acc_in = acc_sum / denom
    conf_in = conf_sum / denom
    terms = jnp.where(cnt > 0, jnp.abs(conf_in - acc_in) * prop, 0.0)
    ece = jnp.sum(terms, axis=1, keepdims=True)
    oece[...] = jnp.broadcast_to(ece, (8, 128))
    oacc[...] = jnp.broadcast_to(acc_in, (8, 128))
    oconf[...] = jnp.broadcast_to(conf_in, (8, 128))
    oprop[...] = jnp.broadcast_to(prop, (8, 128))


def kernel(predictions, targets, confidences):
    partials = _sc_ece(predictions.reshape(-1).astype(jnp.float32),
                       targets.reshape(-1).astype(jnp.float32),
                       confidences.reshape(-1).astype(jnp.float32))

    pr = partials.reshape(NSUB, 3, TROWS * LANES)
    pa, pc, pk = pr[:, 0, :], pr[:, 1, :], pr[:, 2, :]

    gi = jnp.arange(TROWS * LANES) // LANES
    gj = jnp.arange(128)
    m = ((gi[:, None] == gj[None, :]) & (gj[None, :] < NBINS)).astype(jnp.float32)

    f32 = jnp.float32
    oece, oacc, oconf, oprop = pl.pallas_call(
        _finalize_body,
        out_shape=[jax.ShapeDtypeStruct((8, 128), f32)] * 4,
    )(pa, pc, pk, m)

    return (oece[0, 0], oacc[0, :NBINS], oconf[0, :NBINS], oprop[0, :NBINS])

# --- scband reference (transcript-rebuilt; emitter-appended) ---
"""Pipeline reference for scband-expected-calibration-error-5626407158375 (READ-ONLY COPY).

The authoritative reference and input builder live on the scoring server;
editing this copy changes nothing except your own understanding.
"""

import jax, jax.numpy as jnp
import numpy as np

N = 8388608
N_BINS = 15

def setup_inputs(seed: int = 0) -> dict:
    key = jax.random.key(seed)
    k1, k2, k3 = jax.random.split(key, 3)
    predictions = jax.random.uniform(k1, (N,), dtype=jnp.float32)
    targets = jax.random.uniform(k2, (N,), dtype=jnp.float32)
    confidences = jax.random.uniform(k3, (N,), dtype=jnp.float32)
    return {"predictions": predictions, "targets": targets, "confidences": confidences}

def reference(predictions, targets, confidences):
    preds = predictions.reshape(-1).astype(jnp.float32)
    tg = targets.reshape(-1).astype(jnp.float32)
    conf = confidences.reshape(-1).astype(jnp.float32)
    # accuracies as defined in the torch module: negative squared error
    acc = -(preds - tg) ** 2
    boundaries = jnp.linspace(0.0, 1.0, N_BINS + 1).astype(jnp.float32)
    n = jnp.asarray(preds.shape[0], dtype=jnp.float32)
    ece = jnp.asarray(0.0, dtype=jnp.float32)
    bin_accs = []
    bin_confs = []
    bin_props = []
    for i in range(N_BINS):
        lo = boundaries[i]
        hi = boundaries[i + 1]
        in_bin = (conf > lo) & (conf <= hi)
        inf = in_bin.astype(jnp.float32)
        cnt = jnp.sum(inf)
        prop = cnt / n
        denom = jnp.maximum(cnt, 1.0)
        acc_in = jnp.sum(acc * inf) / denom
        conf_in = jnp.sum(conf * inf) / denom
        ece = ece + jnp.where(cnt > 0, jnp.abs(conf_in - acc_in) * prop, 0.0)
        bin_accs.append(acc_in)
        bin_confs.append(conf_in)
        bin_props.append(prop)
    return ece, jnp.stack(bin_accs), jnp.stack(bin_confs), jnp.stack(bin_props)

if __name__ == "__main__":
    import jax
    _d = setup_inputs()
    print(jax.jit(kernel)(*tuple(_d.values())))

</pallas_src>

<mosaic_0001>
#map = affine_map<(d0, d1) -> (0)>
#map1 = affine_map<(d0, d1) -> (0, 0)>
module attributes {stable_mosaic.version = 14 : i64} {
  func.func @_sc_body(%arg0: i32, %arg1: i32, %arg2: memref<8388608xf32, #tpu.memory_space<hbm>>, %arg3: memref<8388608xf32, #tpu.memory_space<hbm>>, %arg4: memref<8388608xf32, #tpu.memory_space<hbm>>, %arg5: memref<32x768xf32, #tpu.memory_space<hbm>>, %arg6: memref<8192xf32, #tpu.memory_space<vmem>>, %arg7: memref<8192xf32, #tpu.memory_space<vmem>>, %arg8: memref<8192xf32, #tpu.memory_space<vmem>>, %arg9: memref<8192xf32, #tpu.memory_space<vmem>>, %arg10: memref<8192xf32, #tpu.memory_space<vmem>>, %arg11: memref<8192xf32, #tpu.memory_space<vmem>>, %arg12: memref<256xf32, #tpu.memory_space<vmem>>, %arg13: memref<256xf32, #tpu.memory_space<vmem>>, %arg14: memref<256xf32, #tpu.memory_space<vmem>>, %arg15: memref<!tpu.dma_semaphore, #tpu.memory_space<semaphore_mem>>, %arg16: memref<!tpu.dma_semaphore, #tpu.memory_space<semaphore_mem>>) attributes {dimension_semantics = [#tpu.dimension_semantics<core_parallel>, #tpu.dimension_semantics<subcore_parallel>], iteration_bounds = array<i64: 2, 16>, scalar_prefetch = 0 : i64, scratch_operands = 11 : i64, tpu.core_type = #tpu.core_type<sc_vector_subcore>, window_params = [{transform_indices = #map}, {transform_indices = #map}, {transform_indices = #map}, {transform_indices = #map1}]} {
    %mul3A = arith.constant 16 : i32
    %mul3A_0 = arith.muli %arg0, %mul3A : i32
    %add3A = arith.addi %mul3A_0, %arg1 : i32
    %mul3A_1 = arith.constant 262144 : i32
    %mul3A_2 = arith.muli %add3A, %mul3A_1 : i32
    %broadcast_in_dim3A = arith.constant 0.000000e+00 : f32
    %broadcast_in_dim3A_3 = vector.broadcast %broadcast_in_dim3A : f32 to vector<16xf32>
    %swap3A = arith.constant 0 : index
    %swap3A_4 = tpu.vector_load %arg12[%swap3A] {strides = array<i32>} : memref<256xf32, #tpu.memory_space<vmem>>, vector<16xf32>,
    tpu.vector_store %arg12[%swap3A], %broadcast_in_dim3A_3 {strides = array<i32>} : memref<256xf32, #tpu.memory_space<vmem>>, vector<16xf32>,
    %swap3A_5 = arith.constant 0 : index
    %swap3A_6 = tpu.vector_load %arg13[%swap3A_5] {strides = array<i32>} : memref<256xf32, #tpu.memory_space<vmem>>, vector<16xf32>,
    tpu.vector_store %arg13[%swap3A_5], %broadcast_in_dim3A_3 {strides = array<i32>} : memref<256xf32, #tpu.memory_space<vmem>>, vector<16xf32>,
    %swap3A_7 = arith.constant 0 : index
    %swap3A_8 = tpu.vector_load %arg14[%swap3A_7] {strides = array<i32>} : memref<256xf32, #tpu.memory_space<vmem>>, vector<16xf32>,
    tpu.vector_store %arg14[%swap3A_7], %broadcast_in_dim3A_3 {strides = array<i32>} : memref<256xf32, #tpu.memory_space<vmem>>, vector<16xf32>,
    %swap3A_9 = arith.constant 16 : index
    %swap3A_10 = tpu.vector_load %arg12[%swap3A_9] {strides = array<i32>} : memref<256xf32, #tpu.memory_space<vmem>>, vector<16xf32>,
    tpu.vector_store %arg12[%swap3A_9], %broadcast_in_dim3A_3 {strides = array<i32>} : memref<256xf32, #tpu.memory_space<vmem>>, vector<16xf32>,
    %swap3A_11 = arith.constant 16 : index
    %swap3A_12 = tpu.vector_load %arg13[%swap3A_11] {strides = array<i32>} : memref<256xf32, #tpu.memory_space<vmem>>, vector<16xf32>,
    tpu.vector_store %arg13[%swap3A_11], %broadcast_in_dim3A_3 {strides = array<i32>} : memref<256xf32, #tpu.memory_space<vmem>>, vector<16xf32>,
    %swap3A_13 = arith.constant 16 : index
    %swap3A_14 = tpu.vector_load %arg14[%swap3A_13] {strides = array<i32>} : memref<256xf32, #tpu.memory_space<vmem>>, vector<16xf32>,
    tpu.vector_store %arg14[%swap3A_13], %broadcast_in_dim3A_3 {strides = array<i32>} : memref<256xf32, #tpu.memory_space<vmem>>, vector<16xf32>,
    %swap3A_15 = arith.constant 32 : index
    %swap3A_16 = tpu.vector_load %arg12[%swap3A_15] {strides = array<i32>} : memref<256xf32, #tpu.memory_space<vmem>>, vector<16xf32>,
    tpu.vector_store %arg12[%swap3A_15], %broadcast_in_dim3A_3 {strides = array<i32>} : memref<256xf32, #tpu.memory_space<vmem>>, vector<16xf32>,
    %swap3A_17 = arith.constant 32 : index
    %swap3A_18 = tpu.vector_load %arg13[%swap3A_17] {strides = array<i32>} : memref<256xf32, #tpu.memory_space<vmem>>, vector<16xf32>,
    tpu.vector_store %arg13[%swap3A_17], %broadcast_in_dim3A_3 {strides = array<i32>} : memref<256xf32, #tpu.memory_space<vmem>>, vector<16xf32>,
    %swap3A_19 = arith.constant 32 : index
    %swap3A_20 = tpu.vector_load %arg14[%swap3A_19] {strides = array<i32>} : memref<256xf32, #tpu.memory_space<vmem>>, vector<16xf32>,
    tpu.vector_store %arg14[%swap3A_19], %broadcast_in_dim3A_3 {strides = array<i32>} : memref<256xf32, #tpu.memory_space<vmem>>, vector<16xf32>,
    %swap3A_21 = arith.constant 48 : index
    %swap3A_22 = tpu.vector_load %arg12[%swap3A_21] {strides = array<i32>} : memref<256xf32, #tpu.memory_space<vmem>>, vector<16xf32>,
    tpu.vector_store %arg12[%swap3A_21], %broadcast_in_dim3A_3 {strides = array<i32>} : memref<256xf32, #tpu.memory_space<vmem>>, vector<16xf32>,
    %swap3A_23 = arith.constant 48 : index
    %swap3A_24 = tpu.vector_load %arg13[%swap3A_23] {strides = array<i32>} : memref<256xf32, #tpu.memory_space<vmem>>, vector<16xf32>,
    tpu.vector_store %arg13[%swap3A_23], %broadcast_in_dim3A_3 {strides = array<i32>} : memref<256xf32, #tpu.memory_space<vmem>>, vector<16xf32>,
    %swap3A_25 = arith.constant 48 : index
    %swap3A_26 = tpu.vector_load %arg14[%swap3A_25] {strides = array<i32>} : memref<256xf32, #tpu.memory_space<vmem>>, vector<16xf32>,
    tpu.vector_store %arg14[%swap3A_25], %broadcast_in_dim3A_3 {strides = array<i32>} : memref<256xf32, #tpu.memory_space<vmem>>, vector<16xf32>,
    %swap3A_27 = arith.constant 64 : index
    %swap3A_28 = tpu.vector_load %arg12[%swap3A_27] {strides = array<i32>} : memref<256xf32, #tpu.memory_space<vmem>>, vector<16xf32>,
    tpu.vector_store %arg12[%swap3A_27], %broadcast_in_dim3A_3 {strides = array<i32>} : memref<256xf32, #tpu.memory_space<vmem>>, vector<16xf32>,
    %swap3A_29 = arith.constant 64 : index
    %swap3A_30 = tpu.vector_load %arg13[%swap3A_29] {strides = array<i32>} : memref<256xf32, #tpu.memory_space<vmem>>, vector<16xf32>,
    tpu.vector_store %arg13[%swap3A_29], %broadcast_in_dim3A_3 {strides = array<i32>} : memref<256xf32, #tpu.memory_space<vmem>>, vector<16xf32>,
    %swap3A_31 = arith.constant 64 : index
    %swap3A_32 = tpu.vector_load %arg14[%swap3A_31] {strides = array<i32>} : memref<256xf32, #tpu.memory_space<vmem>>, vector<16xf32>,
    tpu.vector_store %arg14[%swap3A_31], %broadcast_in_dim3A_3 {strides = array<i32>} : memref<256xf32, #tpu.memory_space<vmem>>, vector<16xf32>,
    %swap3A_33 = arith.constant 80 : index
    %swap3A_34 = tpu.vector_load %arg12[%swap3A_33] {strides = array<i32>} : memref<256xf32, #tpu.memory_space<vmem>>, vector<16xf32>,
    tpu.vector_store %arg12[%swap3A_33], %broadcast_in_dim3A_3 {strides = array<i32>} : memref<256xf32, #tpu.memory_space<vmem>>, vector<16xf32>,
    %swap3A_35 = arith.constant 80 : index
    %swap3A_36 = tpu.vector_load %arg13[%swap3A_35] {strides = array<i32>} : memref<256xf32, #tpu.memory_space<vmem>>, vector<16xf32>,
    tpu.vector_store %arg13[%swap3A_35], %broadcast_in_dim3A_3 {strides = array<i32>} : memref<256xf32, #tpu.memory_space<vmem>>, vector<16xf32>,
    %swap3A_37 = arith.constant 80 : index
    %swap3A_38 = tpu.vector_load %arg14[%swap3A_37] {strides = array<i32>} : memref<256xf32, #tpu.memory_space<vmem>>, vector<16xf32>,
    tpu.vector_store %arg14[%swap3A_37], %broadcast_in_dim3A_3 {strides = array<i32>} : memref<256xf32, #tpu.memory_space<vmem>>, vector<16xf32>,
    %swap3A_39 = arith.constant 96 : index
    %swap3A_40 = tpu.vector_load %arg12[%swap3A_39] {strides = array<i32>} : memref<256xf32, #tpu.memory_space<vmem>>, vector<16xf32>,
    tpu.vector_store %arg12[%swap3A_39], %broadcast_in_dim3A_3 {strides = array<i32>} : memref<256xf32, #tpu.memory_space<vmem>>, vector<16xf32>,
    %swap3A_41 = arith.constant 96 : index
    %swap3A_42 = tpu.vector_load %arg13[%swap3A_41] {strides = array<i32>} : memref<256xf32, #tpu.memory_space<vmem>>, vector<16xf32>,
    tpu.vector_store %arg13[%swap3A_41], %broadcast_in_dim3A_3 {strides = array<i32>} : memref<256xf32, #tpu.memory_space<vmem>>, vector<16xf32>,
    %swap3A_43 = arith.constant 96 : index
    %swap3A_44 = tpu.vector_load %arg14[%swap3A_43] {strides = array<i32>} : memref<256xf32, #tpu.memory_space<vmem>>, vector<16xf32>,
    tpu.vector_store %arg14[%swap3A_43], %broadcast_in_dim3A_3 {strides = array<i32>} : memref<256xf32, #tpu.memory_space<vmem>>, vector<16xf32>,
    %swap3A_45 = arith.constant 112 : index
    %swap3A_46 = tpu.vector_load %arg12[%swap3A_45] {strides = array<i32>} : memref<256xf32, #tpu.memory_space<vmem>>, vector<16xf32>,
    tpu.vector_store %arg12[%swap3A_45], %broadcast_in_dim3A_3 {strides = array<i32>} : memref<256xf32, #tpu.memory_space<vmem>>, vector<16xf32>,
    %swap3A_47 = arith.constant 112 : index
    %swap3A_48 = tpu.vector_load %arg13[%swap3A_47] {strides = array<i32>} : memref<256xf32, #tpu.memory_space<vmem>>, vector<16xf32>,
    tpu.vector_store %arg13[%swap3A_47], %broadcast_in_dim3A_3 {strides = array<i32>} : memref<256xf32, #tpu.memory_space<vmem>>, vector<16xf32>,
    %swap3A_49 = arith.constant 112 : index
    %swap3A_50 = tpu.vector_load %arg14[%swap3A_49] {strides = array<i32>} : memref<256xf32, #tpu.memory_space<vmem>>, vector<16xf32>,
    tpu.vector_store %arg14[%swap3A_49], %broadcast_in_dim3A_3 {strides = array<i32>} : memref<256xf32, #tpu.memory_space<vmem>>, vector<16xf32>,
    %swap3A_51 = arith.constant 128 : index
    %swap3A_52 = tpu.vector_load %arg12[%swap3A_51] {strides = array<i32>} : memref<256xf32, #tpu.memory_space<vmem>>, vector<16xf32>,
    tpu.vector_store %arg12[%swap3A_51], %broadcast_in_dim3A_3 {strides = array<i32>} : memref<256xf32, #tpu.memory_space<vmem>>, vector<16xf32>,
    %swap3A_53 = arith.constant 128 : index
    %swap3A_54 = tpu.vector_load %arg13[%swap3A_53] {strides = array<i32>} : memref<256xf32, #tpu.memory_space<vmem>>, vector<16xf32>,
    tpu.vector_store %arg13[%swap3A_53], %broadcast_in_dim3A_3 {strides = array<i32>} : memref<256xf32, #tpu.memory_space<vmem>>, vector<16xf32>,
    %swap3A_55 = arith.constant 128 : index
    %swap3A_56 = tpu.vector_load %arg14[%swap3A_55] {strides = array<i32>} : memref<256xf32, #tpu.memory_space<vmem>>, vector<16xf32>,
    tpu.vector_store %arg14[%swap3A_55], %broadcast_in_dim3A_3 {strides = array<i32>} : memref<256xf32, #tpu.memory_space<vmem>>, vector<16xf32>,
    %swap3A_57 = arith.constant 144 : index
    %swap3A_58 = tpu.vector_load %arg12[%swap3A_57] {strides = array<i32>} : memref<256xf32, #tpu.memory_space<vmem>>, vector<16xf32>,
    tpu.vector_store %arg12[%swap3A_57], %broadcast_in_dim3A_3 {strides = array<i32>} : memref<256xf32, #tpu.memory_space<vmem>>, vector<16xf32>,
    %swap3A_59 = arith.constant 144 : index
    %swap3A_60 = tpu.vector_load %arg13[%swap3A_59] {strides = array<i32>} : memref<256xf32, #tpu.memory_space<vmem>>, vector<16xf32>,
    tpu.vector_store %arg13[%swap3A_59], %broadcast_in_dim3A_3 {strides = array<i32>} : memref<256xf32, #tpu.memory_space<vmem>>, vector<16xf32>,
    %swap3A_61 = arith.constant 144 : index
    %swap3A_62 = tpu.vector_load %arg14[%swap3A_61] {strides = array<i32>} : memref<256xf32, #tpu.memory_space<vmem>>, vector<16xf32>,
    tpu.vector_store %arg14[%swap3A_61], %broadcast_in_dim3A_3 {strides = array<i32>} : memref<256xf32, #tpu.memory_space<vmem>>, vector<16xf32>,
    %swap3A_63 = arith.constant 160 : index
    %swap3A_64 = tpu.vector_load %arg12[%swap3A_63] {strides = array<i32>} : memref<256xf32, #tpu.memory_space<vmem>>, vector<16xf32>,
    tpu.vector_store %arg12[%swap3A_63], %broadcast_in_dim3A_3 {strides = array<i32>} : memref<256xf32, #tpu.memory_space<vmem>>, vector<16xf32>,
    %swap3A_65 = arith.constant 160 : index
    %swap3A_66 = tpu.vector_load %arg13[%swap3A_65] {strides = array<i32>} : memref<256xf32, #tpu.memory_space<vmem>>, vector<16xf32>,
    tpu.vector_store %arg13[%swap3A_65], %broadcast_in_dim3A_3 {strides = array<i32>} : memref<256xf32, #tpu.memory_space<vmem>>, vector<16xf32>,
    %swap3A_67 = arith.constant 160 : index
    %swap3A_68 = tpu.vector_load %arg14[%swap3A_67] {strides = array<i32>} : memref<256xf32, #tpu.memory_space<vmem>>, vector<16xf32>,
    tpu.vector_store %arg14[%swap3A_67], %broadcast_in_dim3A_3 {strides = array<i32>} : memref<256xf32, #tpu.memory_space<vmem>>, vector<16xf32>,
    %swap3A_69 = arith.constant 176 : index
    %swap3A_70 = tpu.vector_load %arg12[%swap3A_69] {strides = array<i32>} : memref<256xf32, #tpu.memory_space<vmem>>, vector<16xf32>,
    tpu.vector_store %arg12[%swap3A_69], %broadcast_in_dim3A_3 {strides = array<i32>} : memref<256xf32, #tpu.memory_space<vmem>>, vector<16xf32>,
    %swap3A_71 = arith.constant 176 : index
    %swap3A_72 = tpu.vector_load %arg13[%swap3A_71] {strides = array<i32>} : memref<256xf32, #tpu.memory_space<vmem>>, vector<16xf32>,
    tpu.vector_store %arg13[%swap3A_71], %broadcast_in_dim3A_3 {strides = array<i32>} : memref<256xf32, #tpu.memory_space<vmem>>, vector<16xf32>,
    %swap3A_73 = arith.constant 176 : index
    %swap3A_74 = tpu.vector_load %arg14[%swap3A_73] {strides = array<i32>} : memref<256xf32, #tpu.memory_space<vmem>>, vector<16xf32>,
    tpu.vector_store %arg14[%swap3A_73], %broadcast_in_dim3A_3 {strides = array<i32>} : memref<256xf32, #tpu.memory_space<vmem>>, vector<16xf32>,
    %swap3A_75 = arith.constant 192 : index
    %swap3A_76 = tpu.vector_load %arg12[%swap3A_75] {strides = array<i32>} : memref<256xf32, #tpu.memory_space<vmem>>, vector<16xf32>,
    tpu.vector_store %arg12[%swap3A_75], %broadcast_in_dim3A_3 {strides = array<i32>} : memref<256xf32, #tpu.memory_space<vmem>>, vector<16xf32>,
    %swap3A_77 = arith.constant 192 : index
    %swap3A_78 = tpu.vector_load %arg13[%swap3A_77] {strides = array<i32>} : memref<256xf32, #tpu.memory_space<vmem>>, vector<16xf32>,
    tpu.vector_store %arg13[%swap3A_77], %broadcast_in_dim3A_3 {strides = array<i32>} : memref<256xf32, #tpu.memory_space<vmem>>, vector<16xf32>,
    %swap3A_79 = arith.constant 192 : index
    %swap3A_80 = tpu.vector_load %arg14[%swap3A_79] {strides = array<i32>} : memref<256xf32, #tpu.memory_space<vmem>>, vector<16xf32>,
    tpu.vector_store %arg14[%swap3A_79], %broadcast_in_dim3A_3 {strides = array<i32>} : memref<256xf32, #tpu.memory_space<vmem>>, vector<16xf32>,
    %swap3A_81 = arith.constant 208 : index
    %swap3A_82 = tpu.vector_load %arg12[%swap3A_81] {strides = array<i32>} : memref<256xf32, #tpu.memory_space<vmem>>, vector<16xf32>,
    tpu.vector_store %arg12[%swap3A_81], %broadcast_in_dim3A_3 {strides = array<i32>} : memref<256xf32, #tpu.memory_space<vmem>>, vector<16xf32>,
    %swap3A_83 = arith.constant 208 : index
    %swap3A_84 = tpu.vector_load %arg13[%swap3A_83] {strides = array<i32>} : memref<256xf32, #tpu.memory_space<vmem>>, vector<16xf32>,
    tpu.vector_store %arg13[%swap3A_83], %broadcast_in_dim3A_3 {strides = array<i32>} : memref<256xf32, #tpu.memory_space<vmem>>, vector<16xf32>,
    %swap3A_85 = arith.constant 208 : index
    %swap3A_86 = tpu.vector_load %arg14[%swap3A_85] {strides = array<i32>} : memref<256xf32, #tpu.memory_space<vmem>>, vector<16xf32>,
    tpu.vector_store %arg14[%swap3A_85], %broadcast_in_dim3A_3 {strides = array<i32>} : memref<256xf32, #tpu.memory_space<vmem>>, vector<16xf32>,
    %swap3A_87 = arith.constant 224 : index
    %swap3A_88 = tpu.vector_load %arg12[%swap3A_87] {strides = array<i32>} : memref<256xf32, #tpu.memory_space<vmem>>, vector<16xf32>,
    tpu.vector_store %arg12[%swap3A_87], %broadcast_in_dim3A_3 {strides = array<i32>} : memref<256xf32, #tpu.memory_space<vmem>>, vector<16xf32>,
    %swap3A_89 = arith.constant 224 : index
    %swap3A_90 = tpu.vector_load %arg13[%swap3A_89] {strides = array<i32>} : memref<256xf32, #tpu.memory_space<vmem>>, vector<16xf32>,
    tpu.vector_store %arg13[%swap3A_89], %broadcast_in_dim3A_3 {strides = array<i32>} : memref<256xf32, #tpu.memory_space<vmem>>, vector<16xf32>,
    %swap3A_91 = arith.constant 224 : index
    %swap3A_92 = tpu.vector_load %arg14[%swap3A_91] {strides = array<i32>} : memref<256xf32, #tpu.memory_space<vmem>>, vector<16xf32>,
    tpu.vector_store %arg14[%swap3A_91], %broadcast_in_dim3A_3 {strides = array<i32>} : memref<256xf32, #tpu.memory_space<vmem>>, vector<16xf32>,
    %swap3A_93 = arith.constant 240 : index
    %swap3A_94 = tpu.vector_load %arg12[%swap3A_93] {strides = array<i32>} : memref<256xf32, #tpu.memory_space<vmem>>, vector<16xf32>,
    tpu.vector_store %arg12[%swap3A_93], %broadcast_in_dim3A_3 {strides = array<i32>} : memref<256xf32, #tpu.memory_space<vmem>>, vector<16xf32>,
    %swap3A_95 = arith.constant 240 : index
    %swap3A_96 = tpu.vector_load %arg13[%swap3A_95] {strides = array<i32>} : memref<256xf32, #tpu.memory_space<vmem>>, vector<16xf32>,
    tpu.vector_store %arg13[%swap3A_95], %broadcast_in_dim3A_3 {strides = array<i32>} : memref<256xf32, #tpu.memory_space<vmem>>, vector<16xf32>,
    %swap3A_97 = arith.constant 240 : index
    %swap3A_98 = tpu.vector_load %arg14[%swap3A_97] {strides = array<i32>} : memref<256xf32, #tpu.memory_space<vmem>>, vector<16xf32>,
    tpu.vector_store %arg14[%swap3A_97], %broadcast_in_dim3A_3 {strides = array<i32>} : memref<256xf32, #tpu.memory_space<vmem>>, vector<16xf32>,
    %iota3A = tpu.iota {dimensions = array<i32: 0>} : vector<16xi32>
    %broadcast_in_dim3A_99 = arith.constant 1.000000e+00 : f32
    %broadcast_in_dim3A_100 = vector.broadcast %broadcast_in_dim3A_99 : f32 to vector<16xf32>
    %add3A_101 = arith.constant 0 : i32
    %add3A_102 = arith.addi %mul3A_2, %add3A_101 : i32
    %dma_start3A = tpu.memref_slice %arg2[%add3A_102] : memref<8388608xf32, #tpu.memory_space<hbm>> -> memref<8192xf32, #tpu.memory_space<hbm>>
    %dma_start3A_103 = tpu.memref_slice %arg2[%add3A_102] : memref<8388608xf32, #tpu.memory_space<hbm>> -> memref<8192xf32, #tpu.memory_space<hbm>>
    tpu.enqueue_dma source(%dma_start3A_103 : memref<8192xf32, #tpu.memory_space<hbm>>) target(%arg6 : memref<8192xf32, #tpu.memory_space<vmem>>) target_semaphore(%arg15 : memref<!tpu.dma_semaphore, #tpu.memory_space<semaphore_mem>>)
    %dma_start3A_104 = tpu.memref_slice %arg3[%add3A_102] : memref<8388608xf32, #tpu.memory_space<hbm>> -> memref<8192xf32, #tpu.memory_space<hbm>>
    %dma_start3A_105 = tpu.memref_slice %arg3[%add3A_102] : memref<8388608xf32, #tpu.memory_space<hbm>> -> memref<8192xf32, #tpu.memory_space<hbm>>
    tpu.enqueue_dma source(%dma_start3A_105 : memref<8192xf32, #tpu.memory_space<hbm>>) target(%arg7 : memref<8192xf32, #tpu.memory_space<vmem>>) target_semaphore(%arg15 : memref<!tpu.dma_semaphore, #tpu.memory_space<semaphore_mem>>)
    %dma_start3A_106 = tpu.memref_slice %arg4[%add3A_102] : memref<8388608xf32, #tpu.memory_space<hbm>> -> memref<8192xf32, #tpu.memory_space<hbm>>
    %dma_start3A_107 = tpu.memref_slice %arg4[%add3A_102] : memref<8388608xf32, #tpu.memory_space<hbm>> -> memref<8192xf32, #tpu.memory_space<hbm>>
    tpu.enqueue_dma source(%dma_start3A_107 : memref<8192xf32, #tpu.memory_space<hbm>>) target(%arg8 : memref<8192xf32, #tpu.memory_space<vmem>>) target_semaphore(%arg15 : memref<!tpu.dma_semaphore, #tpu.memory_space<semaphore_mem>>)
    %add3A_108 = arith.constant 8192 : i32
    %add3A_109 = arith.addi %mul3A_2, %add3A_108 : i32
    %dma_start3A_110 = tpu.memref_slice %arg2[%add3A_109] : memref<8388608xf32, #tpu.memory_space<hbm>> -> memref<8192xf32, #tpu.memory_space<hbm>>
    %dma_start3A_111 = tpu.memref_slice %arg2[%add3A_109] : memref<8388608xf32, #tpu.memory_space<hbm>> -> memref<8192xf32, #tpu.memory_space<hbm>>
    tpu.enqueue_dma source(%dma_start3A_111 : memref<8192xf32, #tpu.memory_space<hbm>>) target(%arg9 : memref<8192xf32, #tpu.memory_space<vmem>>) target_semaphore(%arg16 : memref<!tpu.dma_semaphore, #tpu.memory_space<semaphore_mem>>)
    %dma_start3A_112 = tpu.memref_slice %arg3[%add3A_109] : memref<8388608xf32, #tpu.memory_space<hbm>> -> memref<8192xf32, #tpu.memory_space<hbm>>
    %dma_start3A_113 = tpu.memref_slice %arg3[%add3A_109] : memref<8388608xf32, #tpu.memory_space<hbm>> -> memref<8192xf32, #tpu.memory_space<hbm>>
    tpu.enqueue_dma source(%dma_start3A_113 : memref<8192xf32, #tpu.memory_space<hbm>>) target(%arg10 : memref<8192xf32, #tpu.memory_space<vmem>>) target_semaphore(%arg16 : memref<!tpu.dma_semaphore, #tpu.memory_space<semaphore_mem>>)
    %dma_start3A_114 = tpu.memref_slice %arg4[%add3A_109] : memref<8388608xf32, #tpu.memory_space<hbm>> -> memref<8192xf32, #tpu.memory_space<hbm>>
    %dma_start3A_115 = tpu.memref_slice %arg4[%add3A_109] : memref<8388608xf32, #tpu.memory_space<hbm>> -> memref<8192xf32, #tpu.memory_space<hbm>>
    tpu.enqueue_dma source(%dma_start3A_115 : memref<8192xf32, #tpu.memory_space<hbm>>) target(%arg11 : memref<8192xf32, #tpu.memory_space<vmem>>) target_semaphore(%arg16 : memref<!tpu.dma_semaphore, #tpu.memory_space<semaphore_mem>>)
    %scan3A = arith.constant 0 : i32
    %scan3A_116 = arith.constant 0 : i32
    %scan3A_117 = arith.constant 16 : i32
    %scan3A_118 = arith.addi %scan3A_116, %scan3A_117 : i32
    %scan3A_119 = arith.constant 1 : i32
    scf.for %scan3A_144 = %scan3A_116 to %scan3A_118 step %scan3A_119  : i32 {
      %mul3A_145 = arith.constant 2 : i32
      %mul3A_146 = arith.muli %scan3A_144, %mul3A_145 : i32
      %dma_wait3A_147 = arith.constant 0 : i32
      %dma_wait3A_148 = tpu.memref_slice %arg2[%dma_wait3A_147] : memref<8388608xf32, #tpu.memory_space<hbm>> -> memref<8192xf32, #tpu.memory_space<hbm>>
      %dma_wait3A_149 = arith.constant 0 : i32
      %dma_wait3A_150 = tpu.memref_slice %arg2[%dma_wait3A_149] : memref<8388608xf32, #tpu.memory_space<hbm>> -> memref<8192xf32, #tpu.memory_space<hbm>>
      tpu.wait_dma2 semaphore(%arg15 : memref<!tpu.dma_semaphore, #tpu.memory_space<semaphore_mem>>) src(%dma_wait3A_150 : memref<8192xf32, #tpu.memory_space<hbm>>) dst(%arg6 : memref<8192xf32, #tpu.memory_space<vmem>>)
      %dma_wait3A_151 = arith.constant 0 : i32
      %dma_wait3A_152 = tpu.memref_slice %arg3[%dma_wait3A_151] : memref<8388608xf32, #tpu.memory_space<hbm>> -> memref<8192xf32, #tpu.memory_space<hbm>>
      %dma_wait3A_153 = arith.constant 0 : i32
      %dma_wait3A_154 = tpu.memref_slice %arg3[%dma_wait3A_153] : memref<8388608xf32, #tpu.memory_space<hbm>> -> memref<8192xf32, #tpu.memory_space<hbm>>
      tpu.wait_dma2 semaphore(%arg15 : memref<!tpu.dma_semaphore, #tpu.memory_space<semaphore_mem>>) src(%dma_wait3A_154 : memref<8192xf32, #tpu.memory_space<hbm>>) dst(%arg7 : memref<8192xf32, #tpu.memory_space<vmem>>)
      %dma_wait3A_155 = arith.constant 0 : i32
      %dma_wait3A_156 = tpu.memref_slice %arg4[%dma_wait3A_155] : memref<8388608xf32, #tpu.memory_space<hbm>> -> memref<8192xf32, #tpu.memory_space<hbm>>
      %dma_wait3A_157 = arith.constant 0 : i32
      %dma_wait3A_158 = tpu.memref_slice %arg4[%dma_wait3A_157] : memref<8388608xf32, #tpu.memory_space<hbm>> -> memref<8192xf32, #tpu.memory_space<hbm>>
      tpu.wait_dma2 semaphore(%arg15 : memref<!tpu.dma_semaphore, #tpu.memory_space<semaphore_mem>>) src(%dma_wait3A_158 : memref<8192xf32, #tpu.memory_space<hbm>>) dst(%arg8 : memref<8192xf32, #tpu.memory_space<vmem>>)
      %scan3A_159 = arith.constant 0 : i32
      %scan3A_160 = arith.constant 32 : i32
      %scan3A_161 = arith.addi %scan3A_159, %scan3A_160 : i32
      %scan3A_162 = arith.constant 1 : i32
      scf.for %scan3A_212 = %scan3A_159 to %scan3A_161 step %scan3A_162  : i32 {
        %mul3A_213 = arith.constant 256 : i32
        %mul3A_214 = arith.muli %scan3A_212, %mul3A_213 : i32
        %add3A_215 = arith.constant 0 : i32
        %add3A_216 = arith.addi %mul3A_214, %add3A_215 : i32
        %get3A = arith.index_cast %add3A_216 : i32 to index
        %get3A_217 = tpu.vector_load %arg6[%get3A] {strides = array<i32>} : memref<8192xf32, #tpu.memory_space<vmem>>, vector<16xf32>,
        %get3A_218 = arith.index_cast %add3A_216 : i32 to index
        %get3A_219 = tpu.vector_load %arg7[%get3A_218] {strides = array<i32>} : memref<8192xf32, #tpu.memory_space<vmem>>, vector<16xf32>,
        %get3A_220 = arith.index_cast %add3A_216 : i32 to index
        %get3A_221 = tpu.vector_load %arg8[%get3A_220] {strides = array<i32>} : memref<8192xf32, #tpu.memory_space<vmem>>, vector<16xf32>,
        %add3A_222 = arith.constant 16 : i32
        %add3A_223 = arith.addi %mul3A_214, %add3A_222 : i32
        %get3A_224 = arith.index_cast %add3A_223 : i32 to index
        %get3A_225 = tpu.vector_load %arg6[%get3A_224] {strides = array<i32>} : memref<8192xf32, #tpu.memory_space<vmem>>, vector<16xf32>,
        %get3A_226 = arith.index_cast %add3A_223 : i32 to index
        %get3A_227 = tpu.vector_load %arg7[%get3A_226] {strides = array<i32>} : memref<8192xf32, #tpu.memory_space<vmem>>, vector<16xf32>,
        %get3A_228 = arith.index_cast %add3A_223 : i32 to index
        %get3A_229 = tpu.vector_load %arg8[%get3A_228] {strides = array<i32>} : memref<8192xf32, #tpu.memory_space<vmem>>, vector<16xf32>,
        %add3A_230 = arith.constant 32 : i32
        %add3A_231 = arith.addi %mul3A_214, %add3A_230 : i32
        %get3A_232 = arith.index_cast %add3A_231 : i32 to index
        %get3A_233 = tpu.vector_load %arg6[%get3A_232] {strides = array<i32>} : memref<8192xf32, #tpu.memory_space<vmem>>, vector<16xf32>,
        %get3A_234 = arith.index_cast %add3A_231 : i32 to index
        %get3A_235 = tpu.vector_load %arg7[%get3A_234] {strides = array<i32>} : memref<8192xf32, #tpu.memory_space<vmem>>, vector<16xf32>,
        %get3A_236 = arith.index_cast %add3A_231 : i32 to index
        %get3A_237 = tpu.vector_load %arg8[%get3A_236] {strides = array<i32>} : memref<8192xf32, #tpu.memory_space<vmem>>, vector<16xf32>,
        %add3A_238 = arith.constant 48 : i32
        %add3A_239 = arith.addi %mul3A_214, %add3A_238 : i32
        %get3A_240 = arith.index_cast %add3A_239 : i32 to index
        %get3A_241 = tpu.vector_load %arg6[%get3A_240] {strides = array<i32>} : memref<8192xf32, #tpu.memory_space<vmem>>, vector<16xf32>,
        %get3A_242 = arith.index_cast %add3A_239 : i32 to index
        %get3A_243 = tpu.vector_load %arg7[%get3A_242] {strides = array<i32>} : memref<8192xf32, #tpu.memory_space<vmem>>, vector<16xf32>,
        %get3A_244 = arith.index_cast %add3A_239 : i32 to index
        %get3A_245 = tpu.vector_load %arg8[%get3A_244] {strides = array<i32>} : memref<8192xf32, #tpu.memory_space<vmem>>, vector<16xf32>,
        %add3A_246 = arith.constant 64 : i32
        %add3A_247 = arith.addi %mul3A_214, %add3A_246 : i32
        %get3A_248 = arith.index_cast %add3A_247 : i32 to index
        %get3A_249 = tpu.vector_load %arg6[%get3A_248] {strides = array<i32>} : memref<8192xf32, #tpu.memory_space<vmem>>, vector<16xf32>,
        %get3A_250 = arith.index_cast %add3A_247 : i32 to index
        %get3A_251 = tpu.vector_load %arg7[%get3A_250] {strides = array<i32>} : memref<8192xf32, #tpu.memory_space<vmem>>, vector<16xf32>,
        %get3A_252 = arith.index_cast %add3A_247 : i32 to index
        %get3A_253 = tpu.vector_load %arg8[%get3A_252] {strides = array<i32>} : memref<8192xf32, #tpu.memory_space<vmem>>, vector<16xf32>,
        %add3A_254 = arith.constant 80 : i32
        %add3A_255 = arith.addi %mul3A_214, %add3A_254 : i32
        %get3A_256 = arith.index_cast %add3A_255 : i32 to index
        %get3A_257 = tpu.vector_load %arg6[%get3A_256] {strides = array<i32>} : memref<8192xf32, #tpu.memory_space<vmem>>, vector<16xf32>,
        %get3A_258 = arith.index_cast %add3A_255 : i32 to index
        %get3A_259 = tpu.vector_load %arg7[%get3A_258] {strides = array<i32>} : memref<8192xf32, #tpu.memory_space<vmem>>, vector<16xf32>,
        %get3A_260 = arith.index_cast %add3A_255 : i32 to index
        %get3A_261 = tpu.vector_load %arg8[%get3A_260] {strides = array<i32>} : memref<8192xf32, #tpu.memory_space<vmem>>, vector<16xf32>,
        %add3A_262 = arith.constant 96 : i32
        %add3A_263 = arith.addi %mul3A_214, %add3A_262 : i32
        %get3A_264 = arith.index_cast %add3A_263 : i32 to index
        %get3A_265 = tpu.vector_load %arg6[%get3A_264] {strides = array<i32>} : memref<8192xf32, #tpu.memory_space<vmem>>, vector<16xf32>,
        %get3A_266 = arith.index_cast %add3A_263 : i32 to index
        %get3A_267 = tpu.vector_load %arg7[%get3A_266] {strides = array<i32>} : memref<8192xf32, #tpu.memory_space<vmem>>, vector<16xf32>,
        %get3A_268 = arith.index_cast %add3A_263 : i32 to index
        %get3A_269 = tpu.vector_load %arg8[%get3A_268] {strides = array<i32>} : memref<8192xf32, #tpu.memory_space<vmem>>, vector<16xf32>,
        %add3A_270 = arith.constant 112 : i32
        %add3A_271 = arith.addi %mul3A_214, %add3A_270 : i32
        %get3A_272 = arith.index_cast %add3A_271 : i32 to index
        %get3A_273 = tpu.vector_load %arg6[%get3A_272] {strides = array<i32>} : memref<8192xf32, #tpu.memory_space<vmem>>, vector<16xf32>,
        %get3A_274 = arith.index_cast %add3A_271 : i32 to index
        %get3A_275 = tpu.vector_load %arg7[%get3A_274] {strides = array<i32>} : memref<8192xf32, #tpu.memory_space<vmem>>, vector<16xf32>,
        %get3A_276 = arith.index_cast %add3A_271 : i32 to index
        %get3A_277 = tpu.vector_load %arg8[%get3A_276] {strides = array<i32>} : memref<8192xf32, #tpu.memory_space<vmem>>, vector<16xf32>,
        %add3A_278 = arith.constant 128 : i32
        %add3A_279 = arith.addi %mul3A_214, %add3A_278 : i32
        %get3A_280 = arith.index_cast %add3A_279 : i32 to index
        %get3A_281 = tpu.vector_load %arg6[%get3A_280] {strides = array<i32>} : memref<8192xf32, #tpu.memory_space<vmem>>, vector<16xf32>,
        %get3A_282 = arith.index_cast %add3A_279 : i32 to index
        %get3A_283 = tpu.vector_load %arg7[%get3A_282] {strides = array<i32>} : memref<8192xf32, #tpu.memory_space<vmem>>, vector<16xf32>,
        %get3A_284 = arith.index_cast %add3A_279 : i32 to index
        %get3A_285 = tpu.vector_load %arg8[%get3A_284] {strides = array<i32>} : memref<8192xf32, #tpu.memory_space<vmem>>, vector<16xf32>,
        %add3A_286 = arith.constant 144 : i32
        %add3A_287 = arith.addi %mul3A_214, %add3A_286 : i32
        %get3A_288 = arith.index_cast %add3A_287 : i32 to index
        %get3A_289 = tpu.vector_load %arg6[%get3A_288] {strides = array<i32>} : memref<8192xf32, #tpu.memory_space<vmem>>, vector<16xf32>,
        %get3A_290 = arith.index_cast %add3A_287 : i32 to index
        %get3A_291 = tpu.vector_load %arg7[%get3A_290] {strides = array<i32>} : memref<8192xf32, #tpu.memory_space<vmem>>, vector<16xf32>,
        %get3A_292 = arith.index_cast %add3A_287 : i32 to index
        %get3A_293 = tpu.vector_load %arg8[%get3A_292] {strides = array<i32>} : memref<8192xf32, #tpu.memory_space<vmem>>, vector<16xf32>,
        %add3A_294 = arith.constant 160 : i32
        %add3A_295 = arith.addi %mul3A_214, %add3A_294 : i32
        %get3A_296 = arith.index_cast %add3A_295 : i32 to index
        %get3A_297 = tpu.vector_load %arg6[%get3A_296] {strides = array<i32>} : memref<8192xf32, #tpu.memory_space<vmem>>, vector<16xf32>,
        %get3A_298 = arith.index_cast %add3A_295 : i32 to index
        %get3A_299 = tpu.vector_load %arg7[%get3A_298] {strides = array<i32>} : memref<8192xf32, #tpu.memory_space<vmem>>, vector<16xf32>,
        %get3A_300 = arith.index_cast %add3A_295 : i32 to index
        %get3A_301 = tpu.vector_load %arg8[%get3A_300] {strides = array<i32>} : memref<8192xf32, #tpu.memory_space<vmem>>, vector<16xf32>,
        %add3A_302 = arith.constant 176 : i32
        %add3A_303 = arith.addi %mul3A_214, %add3A_302 : i32
        %get3A_304 = arith.index_cast %add3A_303 : i32 to index
        %get3A_305 = tpu.vector_load %arg6[%get3A_304] {strides = array<i32>} : memref<8192xf32, #tpu.memory_space<vmem>>, vector<16xf32>,
        %get3A_306 = arith.index_cast %add3A_303 : i32 to index
        %get3A_307 = tpu.vector_load %arg7[%get3A_306] {strides = array<i32>} : memref<8192xf32, #tpu.memory_space<vmem>>, vector<16xf32>,
        %get3A_308 = arith.index_cast %add3A_303 : i32 to index
        %get3A_309 = tpu.vector_load %arg8[%get3A_308] {strides = array<i32>} : memref<8192xf32, #tpu.memory_space<vmem>>, vector<16xf32>,
        %add3A_310 = arith.constant 192 : i32
        %add3A_311 = arith.addi %mul3A_214, %add3A_310 : i32
        %get3A_312 = arith.index_cast %add3A_311 : i32 to index
        %get3A_313 = tpu.vector_load %arg6[%get3A_312] {strides = array<i32>} : memref<8192xf32, #tpu.memory_space<vmem>>, vector<16xf32>,
        %get3A_314 = arith.index_cast %add3A_311 : i32 to index
        %get3A_315 = tpu.vector_load %arg7[%get3A_314] {strides = array<i32>} : memref<8192xf32, #tpu.memory_space<vmem>>, vector<16xf32>,
        %get3A_316 = arith.index_cast %add3A_311 : i32 to index
        %get3A_317 = tpu.vector_load %arg8[%get3A_316] {strides = array<i32>} : memref<8192xf32, #tpu.memory_space<vmem>>, vector<16xf32>,
        %add3A_318 = arith.constant 208 : i32
        %add3A_319 = arith.addi %mul3A_214, %add3A_318 : i32
        %get3A_320 = arith.index_cast %add3A_319 : i32 to index
        %get3A_321 = tpu.vector_load %arg6[%get3A_320] {strides = array<i32>} : memref<8192xf32, #tpu.memory_space<vmem>>, vector<16xf32>,
        %get3A_322 = arith.index_cast %add3A_319 : i32 to index
        %get3A_323 = tpu.vector_load %arg7[%get3A_322] {strides = array<i32>} : memref<8192xf32, #tpu.memory_space<vmem>>, vector<16xf32>,
        %get3A_324 = arith.index_cast %add3A_319 : i32 to index
        %get3A_325 = tpu.vector_load %arg8[%get3A_324] {strides = array<i32>} : memref<8192xf32, #tpu.memory_space<vmem>>, vector<16xf32>,
        %add3A_326 = arith.constant 224 : i32
        %add3A_327 = arith.addi %mul3A_214, %add3A_326 : i32
        %get3A_328 = arith.index_cast %add3A_327 : i32 to index
        %get3A_329 = tpu.vector_load %arg6[%get3A_328] {strides = array<i32>} : memref<8192xf32, #tpu.memory_space<vmem>>, vector<16xf32>,
        %get3A_330 = arith.index_cast %add3A_327 : i32 to index
        %get3A_331 = tpu.vector_load %arg7[%get3A_330] {strides = array<i32>} : memref<8192xf32, #tpu.memory_space<vmem>>, vector<16xf32>,
        %get3A_332 = arith.index_cast %add3A_327 : i32 to index
        %get3A_333 = tpu.vector_load %arg8[%get3A_332] {strides = array<i32>} : memref<8192xf32, #tpu.memory_space<vmem>>, vector<16xf32>,
        %add3A_334 = arith.constant 240 : i32
        %add3A_335 = arith.addi %mul3A_214, %add3A_334 : i32
        %get3A_336 = arith.index_cast %add3A_335 : i32 to index
        %get3A_337 = tpu.vector_load %arg6[%get3A_336] {strides = array<i32>} : memref<8192xf32, #tpu.memory_space<vmem>>, vector<16xf32>,
        %get3A_338 = arith.index_cast %add3A_335 : i32 to index
        %get3A_339 = tpu.vector_load %arg7[%get3A_338] {strides = array<i32>} : memref<8192xf32, #tpu.memory_space<vmem>>, vector<16xf32>,
        %get3A_340 = arith.index_cast %add3A_335 : i32 to index
        %get3A_341 = tpu.vector_load %arg8[%get3A_340] {strides = array<i32>} : memref<8192xf32, #tpu.memory_space<vmem>>, vector<16xf32>,
        %sub3A = arith.subf %get3A_217, %get3A_219 : vector<16xf32>
        %sub3A_342 = arith.subf %get3A_219, %get3A_217 : vector<16xf32>
        %mul3A_343 = arith.mulf %sub3A, %sub3A_342 : vector<16xf32>
        %mul3A_344 = arith.constant 1.500000e+01 : f32
        %mul3A_345 = vector.broadcast %mul3A_344 : f32 to vector<16xf32>
        %mul3A_346 = arith.mulf %get3A_221, %mul3A_345 : vector<16xf32>
        %convert_element_type3A = arith.fptosi %mul3A_346 : vector<16xf32> to vector<16xi32>
        %mul3A_347 = arith.constant 16 : i32
        %mul3A_348 = vector.broadcast %mul3A_347 : i32 to vector<16xi32>
        %mul3A_349 = arith.muli %convert_element_type3A, %mul3A_348 : vector<16xi32>
        %add3A_350 = arith.addi %mul3A_349, %iota3A : vector<16xi32>
        %sub3A_351 = arith.subf %get3A_225, %get3A_227 : vector<16xf32>
        %sub3A_352 = arith.subf %get3A_227, %get3A_225 : vector<16xf32>
        %mul3A_353 = arith.mulf %sub3A_351, %sub3A_352 : vector<16xf32>
        %mul3A_354 = arith.constant 1.500000e+01 : f32
        %mul3A_355 = vector.broadcast %mul3A_354 : f32 to vector<16xf32>
        %mul3A_356 = arith.mulf %get3A_229, %mul3A_355 : vector<16xf32>
        %convert_element_type3A_357 = arith.fptosi %mul3A_356 : vector<16xf32> to vector<16xi32>
        %mul3A_358 = arith.constant 16 : i32
        %mul3A_359 = vector.broadcast %mul3A_358 : i32 to vector<16xi32>
        %mul3A_360 = arith.muli %convert_element_type3A_357, %mul3A_359 : vector<16xi32>
        %add3A_361 = arith.addi %mul3A_360, %iota3A : vector<16xi32>
        %sub3A_362 = arith.subf %get3A_233, %get3A_235 : vector<16xf32>
        %sub3A_363 = arith.subf %get3A_235, %get3A_233 : vector<16xf32>
        %mul3A_364 = arith.mulf %sub3A_362, %sub3A_363 : vector<16xf32>
        %mul3A_365 = arith.constant 1.500000e+01 : f32
        %mul3A_366 = vector.broadcast %mul3A_365 : f32 to vector<16xf32>
        %mul3A_367 = arith.mulf %get3A_237, %mul3A_366 : vector<16xf32>
        %convert_element_type3A_368 = arith.fptosi %mul3A_367 : vector<16xf32> to vector<16xi32>
        %mul3A_369 = arith.constant 16 : i32
        %mul3A_370 = vector.broadcast %mul3A_369 : i32 to vector<16xi32>
        %mul3A_371 = arith.muli %convert_element_type3A_368, %mul3A_370 : vector<16xi32>
        %add3A_372 = arith.addi %mul3A_371, %iota3A : vector<16xi32>
        %sub3A_373 = arith.subf %get3A_241, %get3A_243 : vector<16xf32>
        %sub3A_374 = arith.subf %get3A_243, %get3A_241 : vector<16xf32>
        %mul3A_375 = arith.mulf %sub3A_373, %sub3A_374 : vector<16xf32>
        %mul3A_376 = arith.constant 1.500000e+01 : f32
        %mul3A_377 = vector.broadcast %mul3A_376 : f32 to vector<16xf32>
        %mul3A_378 = arith.mulf %get3A_245, %mul3A_377 : vector<16xf32>
        %convert_element_type3A_379 = arith.fptosi %mul3A_378 : vector<16xf32> to vector<16xi32>
        %mul3A_380 = arith.constant 16 : i32
        %mul3A_381 = vector.broadcast %mul3A_380 : i32 to vector<16xi32>
        %mul3A_382 = arith.muli %convert_element_type3A_379, %mul3A_381 : vector<16xi32>
        %add3A_383 = arith.addi %mul3A_382, %iota3A : vector<16xi32>
        %sub3A_384 = arith.subf %get3A_249, %get3A_251 : vector<16xf32>
        %sub3A_385 = arith.subf %get3A_251, %get3A_249 : vector<16xf32>
        %mul3A_386 = arith.mulf %sub3A_384, %sub3A_385 : vector<16xf32>
        %mul3A_387 = arith.constant 1.500000e+01 : f32
        %mul3A_388 = vector.broadcast %mul3A_387 : f32 to vector<16xf32>
        %mul3A_389 = arith.mulf %get3A_253, %mul3A_388 : vector<16xf32>
        %convert_element_type3A_390 = arith.fptosi %mul3A_389 : vector<16xf32> to vector<16xi32>
        %mul3A_391 = arith.constant 16 : i32
        %mul3A_392 = vector.broadcast %mul3A_391 : i32 to vector<16xi32>
        %mul3A_393 = arith.muli %convert_element_type3A_390, %mul3A_392 : vector<16xi32>
        %add3A_394 = arith.addi %mul3A_393, %iota3A : vector<16xi32>
        %sub3A_395 = arith.subf %get3A_257, %get3A_259 : vector<16xf32>
        %sub3A_396 = arith.subf %get3A_259, %get3A_257 : vector<16xf32>
        %mul3A_397 = arith.mulf %sub3A_395, %sub3A_396 : vector<16xf32>
        %mul3A_398 = arith.constant 1.500000e+01 : f32
        %mul3A_399 = vector.broadcast %mul3A_398 : f32 to vector<16xf32>
        %mul3A_400 = arith.mulf %get3A_261, %mul3A_399 : vector<16xf32>
        %convert_element_type3A_401 = arith.fptosi %mul3A_400 : vector<16xf32> to vector<16xi32>
        %mul3A_402 = arith.constant 16 : i32
        %mul3A_403 = vector.broadcast %mul3A_402 : i32 to vector<16xi32>
        %mul3A_404 = arith.muli %convert_element_type3A_401, %mul3A_403 : vector<16xi32>
        %add3A_405 = arith.addi %mul3A_404, %iota3A : vector<16xi32>
        %sub3A_406 = arith.subf %get3A_265, %get3A_267 : vector<16xf32>
        %sub3A_407 = arith.subf %get3A_267, %get3A_265 : vector<16xf32>
        %mul3A_408 = arith.mulf %sub3A_406, %sub3A_407 : vector<16xf32>
        %mul3A_409 = arith.constant 1.500000e+01 : f32
        %mul3A_410 = vector.broadcast %mul3A_409 : f32 to vector<16xf32>
        %mul3A_411 = arith.mulf %get3A_269, %mul3A_410 : vector<16xf32>
        %convert_element_type3A_412 = arith.fptosi %mul3A_411 : vector<16xf32> to vector<16xi32>
        %mul3A_413 = arith.constant 16 : i32
        %mul3A_414 = vector.broadcast %mul3A_413 : i32 to vector<16xi32>
        %mul3A_415 = arith.muli %convert_element_type3A_412, %mul3A_414 : vector<16xi32>
        %add3A_416 = arith.addi %mul3A_415, %iota3A : vector<16xi32>
        %sub3A_417 = arith.subf %get3A_273, %get3A_275 : vector<16xf32>
        %sub3A_418 = arith.subf %get3A_275, %get3A_273 : vector<16xf32>
        %mul3A_419 = arith.mulf %sub3A_417, %sub3A_418 : vector<16xf32>
        %mul3A_420 = arith.constant 1.500000e+01 : f32
        %mul3A_421 = vector.broadcast %mul3A_420 : f32 to vector<16xf32>
        %mul3A_422 = arith.mulf %get3A_277, %mul3A_421 : vector<16xf32>
        %convert_element_type3A_423 = arith.fptosi %mul3A_422 : vector<16xf32> to vector<16xi32>
        %mul3A_424 = arith.constant 16 : i32
        %mul3A_425 = vector.broadcast %mul3A_424 : i32 to vector<16xi32>
        %mul3A_426 = arith.muli %convert_element_type3A_423, %mul3A_425 : vector<16xi32>
        %add3A_427 = arith.addi %mul3A_426, %iota3A : vector<16xi32>
        %sub3A_428 = arith.subf %get3A_281, %get3A_283 : vector<16xf32>
        %sub3A_429 = arith.subf %get3A_283, %get3A_281 : vector<16xf32>
        %mul3A_430 = arith.mulf %sub3A_428, %sub3A_429 : vector<16xf32>
        %mul3A_431 = arith.constant 1.500000e+01 : f32
        %mul3A_432 = vector.broadcast %mul3A_431 : f32 to vector<16xf32>
        %mul3A_433 = arith.mulf %get3A_285, %mul3A_432 : vector<16xf32>
        %convert_element_type3A_434 = arith.fptosi %mul3A_433 : vector<16xf32> to vector<16xi32>
        %mul3A_435 = arith.constant 16 : i32
        %mul3A_436 = vector.broadcast %mul3A_435 : i32 to vector<16xi32>
        %mul3A_437 = arith.muli %convert_element_type3A_434, %mul3A_436 : vector<16xi32>
        %add3A_438 = arith.addi %mul3A_437, %iota3A : vector<16xi32>
        %sub3A_439 = arith.subf %get3A_289, %get3A_291 : vector<16xf32>
        %sub3A_440 = arith.subf %get3A_291, %get3A_289 : vector<16xf32>
        %mul3A_441 = arith.mulf %sub3A_439, %sub3A_440 : vector<16xf32>
        %mul3A_442 = arith.constant 1.500000e+01 : f32
        %mul3A_443 = vector.broadcast %mul3A_442 : f32 to vector<16xf32>
        %mul3A_444 = arith.mulf %get3A_293, %mul3A_443 : vector<16xf32>
        %convert_element_type3A_445 = arith.fptosi %mul3A_444 : vector<16xf32> to vector<16xi32>
        %mul3A_446 = arith.constant 16 : i32
        %mul3A_447 = vector.broadcast %mul3A_446 : i32 to vector<16xi32>
        %mul3A_448 = arith.muli %convert_element_type3A_445, %mul3A_447 : vector<16xi32>
        %add3A_449 = arith.addi %mul3A_448, %iota3A : vector<16xi32>
        %sub3A_450 = arith.subf %get3A_297, %get3A_299 : vector<16xf32>
        %sub3A_451 = arith.subf %get3A_299, %get3A_297 : vector<16xf32>
        %mul3A_452 = arith.mulf %sub3A_450, %sub3A_451 : vector<16xf32>
        %mul3A_453 = arith.constant 1.500000e+01 : f32
        %mul3A_454 = vector.broadcast %mul3A_453 : f32 to vector<16xf32>
        %mul3A_455 = arith.mulf %get3A_301, %mul3A_454 : vector<16xf32>
        %convert_element_type3A_456 = arith.fptosi %mul3A_455 : vector<16xf32> to vector<16xi32>
        %mul3A_457 = arith.constant 16 : i32
        %mul3A_458 = vector.broadcast %mul3A_457 : i32 to vector<16xi32>
        %mul3A_459 = arith.muli %convert_element_type3A_456, %mul3A_458 : vector<16xi32>
        %add3A_460 = arith.addi %mul3A_459, %iota3A : vector<16xi32>
        %sub3A_461 = arith.subf %get3A_305, %get3A_307 : vector<16xf32>
        %sub3A_462 = arith.subf %get3A_307, %get3A_305 : vector<16xf32>
        %mul3A_463 = arith.mulf %sub3A_461, %sub3A_462 : vector<16xf32>
        %mul3A_464 = arith.constant 1.500000e+01 : f32
        %mul3A_465 = vector.broadcast %mul3A_464 : f32 to vector<16xf32>
        %mul3A_466 = arith.mulf %get3A_309, %mul3A_465 : vector<16xf32>
        %convert_element_type3A_467 = arith.fptosi %mul3A_466 : vector<16xf32> to vector<16xi32>
        %mul3A_468 = arith.constant 16 : i32
        %mul3A_469 = vector.broadcast %mul3A_468 : i32 to vector<16xi32>
        %mul3A_470 = arith.muli %convert_element_type3A_467, %mul3A_469 : vector<16xi32>
        %add3A_471 = arith.addi %mul3A_470, %iota3A : vector<16xi32>
        %sub3A_472 = arith.subf %get3A_313, %get3A_315 : vector<16xf32>
        %sub3A_473 = arith.subf %get3A_315, %get3A_313 : vector<16xf32>
        %mul3A_474 = arith.mulf %sub3A_472, %sub3A_473 : vector<16xf32>
        %mul3A_475 = arith.constant 1.500000e+01 : f32
        %mul3A_476 = vector.broadcast %mul3A_475 : f32 to vector<16xf32>
        %mul3A_477 = arith.mulf %get3A_317, %mul3A_476 : vector<16xf32>
        %convert_element_type3A_478 = arith.fptosi %mul3A_477 : vector<16xf32> to vector<16xi32>
        %mul3A_479 = arith.constant 16 : i32
        %mul3A_480 = vector.broadcast %mul3A_479 : i32 to vector<16xi32>
        %mul3A_481 = arith.muli %convert_element_type3A_478, %mul3A_480 : vector<16xi32>
        %add3A_482 = arith.addi %mul3A_481, %iota3A : vector<16xi32>
        %sub3A_483 = arith.subf %get3A_321, %get3A_323 : vector<16xf32>
        %sub3A_484 = arith.subf %get3A_323, %get3A_321 : vector<16xf32>
        %mul3A_485 = arith.mulf %sub3A_483, %sub3A_484 : vector<16xf32>
        %mul3A_486 = arith.constant 1.500000e+01 : f32
        %mul3A_487 = vector.broadcast %mul3A_486 : f32 to vector<16xf32>
        %mul3A_488 = arith.mulf %get3A_325, %mul3A_487 : vector<16xf32>
        %convert_element_type3A_489 = arith.fptosi %mul3A_488 : vector<16xf32> to vector<16xi32>
        %mul3A_490 = arith.constant 16 : i32
        %mul3A_491 = vector.broadcast %mul3A_490 : i32 to vector<16xi32>
        %mul3A_492 = arith.muli %convert_element_type3A_489, %mul3A_491 : vector<16xi32>
        %add3A_493 = arith.addi %mul3A_492, %iota3A : vector<16xi32>
        %sub3A_494 = arith.subf %get3A_329, %get3A_331 : vector<16xf32>
        %sub3A_495 = arith.subf %get3A_331, %get3A_329 : vector<16xf32>
        %mul3A_496 = arith.mulf %sub3A_494, %sub3A_495 : vector<16xf32>
        %mul3A_497 = arith.constant 1.500000e+01 : f32
        %mul3A_498 = vector.broadcast %mul3A_497 : f32 to vector<16xf32>
        %mul3A_499 = arith.mulf %get3A_333, %mul3A_498 : vector<16xf32>
        %convert_element_type3A_500 = arith.fptosi %mul3A_499 : vector<16xf32> to vector<16xi32>
        %mul3A_501 = arith.constant 16 : i32
        %mul3A_502 = vector.broadcast %mul3A_501 : i32 to vector<16xi32>
        %mul3A_503 = arith.muli %convert_element_type3A_500, %mul3A_502 : vector<16xi32>
        %add3A_504 = arith.addi %mul3A_503, %iota3A : vector<16xi32>
        %sub3A_505 = arith.subf %get3A_337, %get3A_339 : vector<16xf32>
        %sub3A_506 = arith.subf %get3A_339, %get3A_337 : vector<16xf32>
        %mul3A_507 = arith.mulf %sub3A_505, %sub3A_506 : vector<16xf32>
        %mul3A_508 = arith.constant 1.500000e+01 : f32
        %mul3A_509 = vector.broadcast %mul3A_508 : f32 to vector<16xf32>
        %mul3A_510 = arith.mulf %get3A_341, %mul3A_509 : vector<16xf32>
        %convert_element_type3A_511 = arith.fptosi %mul3A_510 : vector<16xf32> to vector<16xi32>
        %mul3A_512 = arith.constant 16 : i32
        %mul3A_513 = vector.broadcast %mul3A_512 : i32 to vector<16xi32>
        %mul3A_514 = arith.muli %convert_element_type3A_511, %mul3A_513 : vector<16xi32>
        %add3A_515 = arith.addi %mul3A_514, %iota3A : vector<16xi32>
        tpu.vector_store_idx %arg12[%add3A_350], %mul3A_343 {add = true} : memref<256xf32, #tpu.memory_space<vmem>>[vector<16xi32>], vector<16xf32>,
        tpu.vector_store_idx %arg13[%add3A_350], %get3A_221 {add = true} : memref<256xf32, #tpu.memory_space<vmem>>[vector<16xi32>], vector<16xf32>,
        tpu.vector_store_idx %arg14[%add3A_350], %broadcast_in_dim3A_100 {add = true} : memref<256xf32, #tpu.memory_space<vmem>>[vector<16xi32>], vector<16xf32>,
        tpu.vector_store_idx %arg12[%add3A_361], %mul3A_353 {add = true} : memref<256xf32, #tpu.memory_space<vmem>>[vector<16xi32>], vector<16xf32>,
        tpu.vector_store_idx %arg13[%add3A_361], %get3A_229 {add = true} : memref<256xf32, #tpu.memory_space<vmem>>[vector<16xi32>], vector<16xf32>,
        tpu.vector_store_idx %arg14[%add3A_361], %broadcast_in_dim3A_100 {add = true} : memref<256xf32, #tpu.memory_space<vmem>>[vector<16xi32>], vector<16xf32>,
        tpu.vector_store_idx %arg12[%add3A_372], %mul3A_364 {add = true} : memref<256xf32, #tpu.memory_space<vmem>>[vector<16xi32>], vector<16xf32>,
        tpu.vector_store_idx %arg13[%add3A_372], %get3A_237 {add = true} : memref<256xf32, #tpu.memory_space<vmem>>[vector<16xi32>], vector<16xf32>,
        tpu.vector_store_idx %arg14[%add3A_372], %broadcast_in_dim3A_100 {add = true} : memref<256xf32, #tpu.memory_space<vmem>>[vector<16xi32>], vector<16xf32>,
        tpu.vector_store_idx %arg12[%add3A_383], %mul3A_375 {add = true} : memref<256xf32, #tpu.memory_space<vmem>>[vector<16xi32>], vector<16xf32>,
        tpu.vector_store_idx %arg13[%add3A_383], %get3A_245 {add = true} : memref<256xf32, #tpu.memory_space<vmem>>[vector<16xi32>], vector<16xf32>,
        tpu.vector_store_idx %arg14[%add3A_383], %broadcast_in_dim3A_100 {add = true} : memref<256xf32, #tpu.memory_space<vmem>>[vector<16xi32>], vector<16xf32>,
        tpu.vector_store_idx %arg12[%add3A_394], %mul3A_386 {add = true} : memref<256xf32, #tpu.memory_space<vmem>>[vector<16xi32>], vector<16xf32>,
        tpu.vector_store_idx %arg13[%add3A_394], %get3A_253 {add = true} : memref<256xf32, #tpu.memory_space<vmem>>[vector<16xi32>], vector<16xf32>,
        tpu.vector_store_idx %arg14[%add3A_394], %broadcast_in_dim3A_100 {add = true} : memref<256xf32, #tpu.memory_space<vmem>>[vector<16xi32>], vector<16xf32>,
        tpu.vector_store_idx %arg12[%add3A_405], %mul3A_397 {add = true} : memref<256xf32, #tpu.memory_space<vmem>>[vector<16xi32>], vector<16xf32>,
        tpu.vector_store_idx %arg13[%add3A_405], %get3A_261 {add = true} : memref<256xf32, #tpu.memory_space<vmem>>[vector<16xi32>], vector<16xf32>,
        tpu.vector_store_idx %arg14[%add3A_405], %broadcast_in_dim3A_100 {add = true} : memref<256xf32, #tpu.memory_space<vmem>>[vector<16xi32>], vector<16xf32>,
        tpu.vector_store_idx %arg12[%add3A_416], %mul3A_408 {add = true} : memref<256xf32, #tpu.memory_space<vmem>>[vector<16xi32>], vector<16xf32>,
        tpu.vector_store_idx %arg13[%add3A_416], %get3A_269 {add = true} : memref<256xf32, #tpu.memory_space<vmem>>[vector<16xi32>], vector<16xf32>,
        tpu.vector_store_idx %arg14[%add3A_416], %broadcast_in_dim3A_100 {add = true} : memref<256xf32, #tpu.memory_space<vmem>>[vector<16xi32>], vector<16xf32>,
        tpu.vector_store_idx %arg12[%add3A_427], %mul3A_419 {add = true} : memref<256xf32, #tpu.memory_space<vmem>>[vector<16xi32>], vector<16xf32>,
        tpu.vector_store_idx %arg13[%add3A_427], %get3A_277 {add = true} : memref<256xf32, #tpu.memory_space<vmem>>[vector<16xi32>], vector<16xf32>,
        tpu.vector_store_idx %arg14[%add3A_427], %broadcast_in_dim3A_100 {add = true} : memref<256xf32, #tpu.memory_space<vmem>>[vector<16xi32>], vector<16xf32>,
        tpu.vector_store_idx %arg12[%add3A_438], %mul3A_430 {add = true} : memref<256xf32, #tpu.memory_space<vmem>>[vector<16xi32>], vector<16xf32>,
        tpu.vector_store_idx %arg13[%add3A_438], %get3A_285 {add = true} : memref<256xf32, #tpu.memory_space<vmem>>[vector<16xi32>], vector<16xf32>,
        tpu.vector_store_idx %arg14[%add3A_438], %broadcast_in_dim3A_100 {add = true} : memref<256xf32, #tpu.memory_space<vmem>>[vector<16xi32>], vector<16xf32>,
        tpu.vector_store_idx %arg12[%add3A_449], %mul3A_441 {add = true} : memref<256xf32, #tpu.memory_space<vmem>>[vector<16xi32>], vector<16xf32>,
        tpu.vector_store_idx %arg13[%add3A_449], %get3A_293 {add = true} : memref<256xf32, #tpu.memory_space<vmem>>[vector<16xi32>], vector<16xf32>,
        tpu.vector_store_idx %arg14[%add3A_449], %broadcast_in_dim3A_100 {add = true} : memref<256xf32, #tpu.memory_space<vmem>>[vector<16xi32>], vector<16xf32>,
        tpu.vector_store_idx %arg12[%add3A_460], %mul3A_452 {add = true} : memref<256xf32, #tpu.memory_space<vmem>>[vector<16xi32>], vector<16xf32>,
        tpu.vector_store_idx %arg13[%add3A_460], %get3A_301 {add = true} : memref<256xf32, #tpu.memory_space<vmem>>[vector<16xi32>], vector<16xf32>,
        tpu.vector_store_idx %arg14[%add3A_460], %broadcast_in_dim3A_100 {add = true} : memref<256xf32, #tpu.memory_space<vmem>>[vector<16xi32>], vector<16xf32>,
        tpu.vector_store_idx %arg12[%add3A_471], %mul3A_463 {add = true} : memref<256xf32, #tpu.memory_space<vmem>>[vector<16xi32>], vector<16xf32>,
        tpu.vector_store_idx %arg13[%add3A_471], %get3A_309 {add = true} : memref<256xf32, #tpu.memory_space<vmem>>[vector<16xi32>], vector<16xf32>,
        tpu.vector_store_idx %arg14[%add3A_471], %broadcast_in_dim3A_100 {add = true} : memref<256xf32, #tpu.memory_space<vmem>>[vector<16xi32>], vector<16xf32>,
        tpu.vector_store_idx %arg12[%add3A_482], %mul3A_474 {add = true} : memref<256xf32, #tpu.memory_space<vmem>>[vector<16xi32>], vector<16xf32>,
        tpu.vector_store_idx %arg13[%add3A_482], %get3A_317 {add = true} : memref<256xf32, #tpu.memory_space<vmem>>[vector<16xi32>], vector<16xf32>,
        tpu.vector_store_idx %arg14[%add3A_482], %broadcast_in_dim3A_100 {add = true} : memref<256xf32, #tpu.memory_space<vmem>>[vector<16xi32>], vector<16xf32>,
        tpu.vector_store_idx %arg12[%add3A_493], %mul3A_485 {add = true} : memref<256xf32, #tpu.memory_space<vmem>>[vector<16xi32>], vector<16xf32>,
        tpu.vector_store_idx %arg13[%add3A_493], %get3A_325 {add = true} : memref<256xf32, #tpu.memory_space<vmem>>[vector<16xi32>], vector<16xf32>,
        tpu.vector_store_idx %arg14[%add3A_493], %broadcast_in_dim3A_100 {add = true} : memref<256xf32, #tpu.memory_space<vmem>>[vector<16xi32>], vector<16xf32>,
        tpu.vector_store_idx %arg12[%add3A_504], %mul3A_496 {add = true} : memref<256xf32, #tpu.memory_space<vmem>>[vector<16xi32>], vector<16xf32>,
        tpu.vector_store_idx %arg13[%add3A_504], %get3A_333 {add = true} : memref<256xf32, #tpu.memory_space<vmem>>[vector<16xi32>], vector<16xf32>,
        tpu.vector_store_idx %arg14[%add3A_504], %broadcast_in_dim3A_100 {add = true} : memref<256xf32, #tpu.memory_space<vmem>>[vector<16xi32>], vector<16xf32>,
        tpu.vector_store_idx %arg12[%add3A_515], %mul3A_507 {add = true} : memref<256xf32, #tpu.memory_space<vmem>>[vector<16xi32>], vector<16xf32>,
        tpu.vector_store_idx %arg13[%add3A_515], %get3A_341 {add = true} : memref<256xf32, #tpu.memory_space<vmem>>[vector<16xi32>], vector<16xf32>,
        tpu.vector_store_idx %arg14[%add3A_515], %broadcast_in_dim3A_100 {add = true} : memref<256xf32, #tpu.memory_space<vmem>>[vector<16xi32>], vector<16xf32>,
      }
      %scan3A_163 = arith.constant 32 : i32
      %add3A_164 = arith.constant 0 : i32
      %add3A_165 = arith.addi %mul3A_146, %add3A_164 : i32
      %add3A_166 = arith.constant 2 : i32
      %add3A_167 = arith.addi %add3A_165, %add3A_166 : i32
      %lt3A = arith.constant 32 : i32
      %lt3A_168 = arith.cmpi slt, %add3A_167, %lt3A : i32
      %jit3A = arith.constant 0 : i32
      %select_n3A = arith.select %lt3A_168, %add3A_167, %jit3A : i32
      %mul3A_169 = arith.constant 8192 : i32
      %mul3A_170 = arith.muli %select_n3A, %mul3A_169 : i32
      %add3A_171 = arith.addi %mul3A_2, %mul3A_170 : i32
      %dma_start3A_172 = tpu.memref_slice %arg2[%add3A_171] : memref<8388608xf32, #tpu.memory_space<hbm>> -> memref<8192xf32, #tpu.memory_space<hbm>>
      %dma_start3A_173 = tpu.memref_slice %arg2[%add3A_171] : memref<8388608xf32, #tpu.memory_space<hbm>> -> memref<8192xf32, #tpu.memory_space<hbm>>
      tpu.enqueue_dma source(%dma_start3A_173 : memref<8192xf32, #tpu.memory_space<hbm>>) target(%arg6 : memref<8192xf32, #tpu.memory_space<vmem>>) target_semaphore(%arg15 : memref<!tpu.dma_semaphore, #tpu.memory_space<semaphore_mem>>)
      %dma_start3A_174 = tpu.memref_slice %arg3[%add3A_171] : memref<8388608xf32, #tpu.memory_space<hbm>> -> memref<8192xf32, #tpu.memory_space<hbm>>
      %dma_start3A_175 = tpu.memref_slice %arg3[%add3A_171] : memref<8388608xf32, #tpu.memory_space<hbm>> -> memref<8192xf32, #tpu.memory_space<hbm>>
      tpu.enqueue_dma source(%dma_start3A_175 : memref<8192xf32, #tpu.memory_space<hbm>>) target(%arg7 : memref<8192xf32, #tpu.memory_space<vmem>>) target_semaphore(%arg15 : memref<!tpu.dma_semaphore, #tpu.memory_space<semaphore_mem>>)
      %dma_start3A_176 = tpu.memref_slice %arg4[%add3A_171] : memref<8388608xf32, #tpu.memory_space<hbm>> -> memref<8192xf32, #tpu.memory_space<hbm>>
      %dma_start3A_177 = tpu.memref_slice %arg4[%add3A_171] : memref<8388608xf32, #tpu.memory_space<hbm>> -> memref<8192xf32, #tpu.memory_space<hbm>>
      tpu.enqueue_dma source(%dma_start3A_177 : memref<8192xf32, #tpu.memory_space<hbm>>) target(%arg8 : memref<8192xf32, #tpu.memory_space<vmem>>) target_semaphore(%arg15 : memref<!tpu.dma_semaphore, #tpu.memory_space<semaphore_mem>>)
      %dma_wait3A_178 = arith.constant 0 : i32
      %dma_wait3A_179 = tpu.memref_slice %arg2[%dma_wait3A_178] : memref<8388608xf32, #tpu.memory_space<hbm>> -> memref<8192xf32, #tpu.memory_space<hbm>>
      %dma_wait3A_180 = arith.constant 0 : i32
      %dma_wait3A_181 = tpu.memref_slice %arg2[%dma_wait3A_180] : memref<8388608xf32, #tpu.memory_space<hbm>> -> memref<8192xf32, #tpu.memory_space<hbm>>
      tpu.wait_dma2 semaphore(%arg16 : memref<!tpu.dma_semaphore, #tpu.memory_space<semaphore_mem>>) src(%dma_wait3A_181 : memref<8192xf32, #tpu.memory_space<hbm>>) dst(%arg9 : memref<8192xf32, #tpu.memory_space<vmem>>)
      %dma_wait3A_182 = arith.constant 0 : i32
      %dma_wait3A_183 = tpu.memref_slice %arg3[%dma_wait3A_182] : memref<8388608xf32, #tpu.memory_space<hbm>> -> memref<8192xf32, #tpu.memory_space<hbm>>
      %dma_wait3A_184 = arith.constant 0 : i32
      %dma_wait3A_185 = tpu.memref_slice %arg3[%dma_wait3A_184] : memref<8388608xf32, #tpu.memory_space<hbm>> -> memref<8192xf32, #tpu.memory_space<hbm>>
      tpu.wait_dma2 semaphore(%arg16 : memref<!tpu.dma_semaphore, #tpu.memory_space<semaphore_mem>>) src(%dma_wait3A_185 : memref<8192xf32, #tpu.memory_space<hbm>>) dst(%arg10 : memref<8192xf32, #tpu.memory_space<vmem>>)
      %dma_wait3A_186 = arith.constant 0 : i32
      %dma_wait3A_187 = tpu.memref_slice %arg4[%dma_wait3A_186] : memref<8388608xf32, #tpu.memory_space<hbm>> -> memref<8192xf32, #tpu.memory_space<hbm>>
      %dma_wait3A_188 = arith.constant 0 : i32
      %dma_wait3A_189 = tpu.memref_slice %arg4[%dma_wait3A_188] : memref<8388608xf32, #tpu.memory_space<hbm>> -> memref<8192xf32, #tpu.memory_space<hbm>>
      tpu.wait_dma2 semaphore(%arg16 : memref<!tpu.dma_semaphore, #tpu.memory_space<semaphore_mem>>) src(%dma_wait3A_189 : memref<8192xf32, #tpu.memory_space<hbm>>) dst(%arg11 : memref<8192xf32, #tpu.memory_space<vmem>>)
      %scan3A_190 = arith.constant 0 : i32
      %scan3A_191 = arith.constant 32 : i32
      %scan3A_192 = arith.addi %scan3A_190, %scan3A_191 : i32
      %scan3A_193 = arith.constant 1 : i32
      scf.for %scan3A_212 = %scan3A_190 to %scan3A_192 step %scan3A_193  : i32 {
        %mul3A_213 = arith.constant 256 : i32
        %mul3A_214 = arith.muli %scan3A_212, %mul3A_213 : i32
        %add3A_215 = arith.constant 0 : i32
        %add3A_216 = arith.addi %mul3A_214, %add3A_215 : i32
        %get3A = arith.index_cast %add3A_216 : i32 to index
        %get3A_217 = tpu.vector_load %arg9[%get3A] {strides = array<i32>} : memref<8192xf32, #tpu.memory_space<vmem>>, vector<16xf32>,
        %get3A_218 = arith.index_cast %add3A_216 : i32 to index
        %get3A_219 = tpu.vector_load %arg10[%get3A_218] {strides = array<i32>} : memref<8192xf32, #tpu.memory_space<vmem>>, vector<16xf32>,
        %get3A_220 = arith.index_cast %add3A_216 : i32 to index
        %get3A_221 = tpu.vector_load %arg11[%get3A_220] {strides = array<i32>} : memref<8192xf32, #tpu.memory_space<vmem>>, vector<16xf32>,
        %add3A_222 = arith.constant 16 : i32
        %add3A_223 = arith.addi %mul3A_214, %add3A_222 : i32
        %get3A_224 = arith.index_cast %add3A_223 : i32 to index
        %get3A_225 = tpu.vector_load %arg9[%get3A_224] {strides = array<i32>} : memref<8192xf32, #tpu.memory_space<vmem>>, vector<16xf32>,
        %get3A_226 = arith.index_cast %add3A_223 : i32 to index
        %get3A_227 = tpu.vector_load %arg10[%get3A_226] {strides = array<i32>} : memref<8192xf32, #tpu.memory_space<vmem>>, vector<16xf32>,
        %get3A_228 = arith.index_cast %add3A_223 : i32 to index
        %get3A_229 = tpu.vector_load %arg11[%get3A_228] {strides = array<i32>} : memref<8192xf32, #tpu.memory_space<vmem>>, vector<16xf32>,
        %add3A_230 = arith.constant 32 : i32
        %add3A_231 = arith.addi %mul3A_214, %add3A_230 : i32
        %get3A_232 = arith.index_cast %add3A_231 : i32 to index
        %get3A_233 = tpu.vector_load %arg9[%get3A_232] {strides = array<i32>} : memref<8192xf32, #tpu.memory_space<vmem>>, vector<16xf32>,
        %get3A_234 = arith.index_cast %add3A_231 : i32 to index
        %get3A_235 = tpu.vector_load %arg10[%get3A_234] {strides = array<i32>} : memref<8192xf32, #tpu.memory_space<vmem>>, vector<16xf32>,
        %get3A_236 = arith.index_cast %add3A_231 : i32 to index
        %get3A_237 = tpu.vector_load %arg11[%get3A_236] {strides = array<i32>} : memref<8192xf32, #tpu.memory_space<vmem>>, vector<16xf32>,
        %add3A_238 = arith.constant 48 : i32
        %add3A_239 = arith.addi %mul3A_214, %add3A_238 : i32
        %get3A_240 = arith.index_cast %add3A_239 : i32 to index
        %get3A_241 = tpu.vector_load %arg9[%get3A_240] {strides = array<i32>} : memref<8192xf32, #tpu.memory_space<vmem>>, vector<16xf32>,
        %get3A_242 = arith.index_cast %add3A_239 : i32 to index
        %get3A_243 = tpu.vector_load %arg10[%get3A_242] {strides = array<i32>} : memref<8192xf32, #tpu.memory_space<vmem>>, vector<16xf32>,
        %get3A_244 = arith.index_cast %add3A_239 : i32 to index
        %get3A_245 = tpu.vector_load %arg11[%get3A_244] {strides = array<i32>} : memref<8192xf32, #tpu.memory_space<vmem>>, vector<16xf32>,
        %add3A_246 = arith.constant 64 : i32
        %add3A_247 = arith.addi %mul3A_214, %add3A_246 : i32
        %get3A_248 = arith.index_cast %add3A_247 : i32 to index
        %get3A_249 = tpu.vector_load %arg9[%get3A_248] {strides = array<i32>} : memref<8192xf32, #tpu.memory_space<vmem>>, vector<16xf32>,
        %get3A_250 = arith.index_cast %add3A_247 : i32 to index
        %get3A_251 = tpu.vector_load %arg10[%get3A_250] {strides = array<i32>} : memref<8192xf32, #tpu.memory_space<vmem>>, vector<16xf32>,
        %get3A_252 = arith.index_cast %add3A_247 : i32 to index
        %get3A_253 = tpu.vector_load %arg11[%get3A_252] {strides = array<i32>} : memref<8192xf32, #tpu.memory_space<vmem>>, vector<16xf32>,
        %add3A_254 = arith.constant 80 : i32
        %add3A_255 = arith.addi %mul3A_214, %add3A_254 : i32
        %get3A_256 = arith.index_cast %add3A_255 : i32 to index
        %get3A_257 = tpu.vector_load %arg9[%get3A_256] {strides = array<i32>} : memref<8192xf32, #tpu.memory_space<vmem>>, vector<16xf32>,
        %get3A_258 = arith.index_cast %add3A_255 : i32 to index
        %get3A_259 = tpu.vector_load %arg10[%get3A_258] {strides = array<i32>} : memref<8192xf32, #tpu.memory_space<vmem>>, vector<16xf32>,
        %get3A_260 = arith.index_cast %add3A_255 : i32 to index
        %get3A_261 = tpu.vector_load %arg11[%get3A_260] {strides = array<i32>} : memref<8192xf32, #tpu.memory_space<vmem>>, vector<16xf32>,
        %add3A_262 = arith.constant 96 : i32
        %add3A_263 = arith.addi %mul3A_214, %add3A_262 : i32
        %get3A_264 = arith.index_cast %add3A_263 : i32 to index
        %get3A_265 = tpu.vector_load %arg9[%get3A_264] {strides = array<i32>} : memref<8192xf32, #tpu.memory_space<vmem>>, vector<16xf32>,
        %get3A_266 = arith.index_cast %add3A_263 : i32 to index
        %get3A_267 = tpu.vector_load %arg10[%get3A_266] {strides = array<i32>} : memref<8192xf32, #tpu.memory_space<vmem>>, vector<16xf32>,
        %get3A_268 = arith.index_cast %add3A_263 : i32 to index
        %get3A_269 = tpu.vector_load %arg11[%get3A_268] {strides = array<i32>} : memref<8192xf32, #tpu.memory_space<vmem>>, vector<16xf32>,
        %add3A_270 = arith.constant 112 : i32
        %add3A_271 = arith.addi %mul3A_214, %add3A_270 : i32
        %get3A_272 = arith.index_cast %add3A_271 : i32 to index
        %get3A_273 = tpu.vector_load %arg9[%get3A_272] {strides = array<i32>} : memref<8192xf32, #tpu.memory_space<vmem>>, vector<16xf32>,
        %get3A_274 = arith.index_cast %add3A_271 : i32 to index
        %get3A_275 = tpu.vector_load %arg10[%get3A_274] {strides = array<i32>} : memref<8192xf32, #tpu.memory_space<vmem>>, vector<16xf32>,
        %get3A_276 = arith.index_cast %add3A_271 : i32 to index
        %get3A_277 = tpu.vector_load %arg11[%get3A_276] {strides = array<i32>} : memref<8192xf32, #tpu.memory_space<vmem>>, vector<16xf32>,
        %add3A_278 = arith.constant 128 : i32
        %add3A_279 = arith.addi %mul3A_214, %add3A_278 : i32
        %get3A_280 = arith.index_cast %add3A_279 : i32 to index
        %get3A_281 = tpu.vector_load %arg9[%get3A_280] {strides = array<i32>} : memref<8192xf32, #tpu.memory_space<vmem>>, vector<16xf32>,
        %get3A_282 = arith.index_cast %add3A_279 : i32 to index
        %get3A_283 = tpu.vector_load %arg10[%get3A_282] {strides = array<i32>} : memref<8192xf32, #tpu.memory_space<vmem>>, vector<16xf32>,
        %get3A_284 = arith.index_cast %add3A_279 : i32 to index
        %get3A_285 = tpu.vector_load %arg11[%get3A_284] {strides = array<i32>} : memref<8192xf32, #tpu.memory_space<vmem>>, vector<16xf32>,
        %add3A_286 = arith.constant 144 : i32
        %add3A_287 = arith.addi %mul3A_214, %add3A_286 : i32
        %get3A_288 = arith.index_cast %add3A_287 : i32 to index
        %get3A_289 = tpu.vector_load %arg9[%get3A_288] {strides = array<i32>} : memref<8192xf32, #tpu.memory_space<vmem>>, vector<16xf32>,
        %get3A_290 = arith.index_cast %add3A_287 : i32 to index
        %get3A_291 = tpu.vector_load %arg10[%get3A_290] {strides = array<i32>} : memref<8192xf32, #tpu.memory_space<vmem>>, vector<16xf32>,
        %get3A_292 = arith.index_cast %add3A_287 : i32 to index
        %get3A_293 = tpu.vector_load %arg11[%get3A_292] {strides = array<i32>} : memref<8192xf32, #tpu.memory_space<vmem>>, vector<16xf32>,
        %add3A_294 = arith.constant 160 : i32
        %add3A_295 = arith.addi %mul3A_214, %add3A_294 : i32
        %get3A_296 = arith.index_cast %add3A_295 : i32 to index
        %get3A_297 = tpu.vector_load %arg9[%get3A_296] {strides = array<i32>} : memref<8192xf32, #tpu.memory_space<vmem>>, vector<16xf32>,
        %get3A_298 = arith.index_cast %add3A_295 : i32 to index
        %get3A_299 = tpu.vector_load %arg10[%get3A_298] {strides = array<i32>} : memref<8192xf32, #tpu.memory_space<vmem>>, vector<16xf32>,
        %get3A_300 = arith.index_cast %add3A_295 : i32 to index
        %get3A_301 = tpu.vector_load %arg11[%get3A_300] {strides = array<i32>} : memref<8192xf32, #tpu.memory_space<vmem>>, vector<16xf32>,
        %add3A_302 = arith.constant 176 : i32
        %add3A_303 = arith.addi %mul3A_214, %add3A_302 : i32
        %get3A_304 = arith.index_cast %add3A_303 : i32 to index
        %get3A_305 = tpu.vector_load %arg9[%get3A_304] {strides = array<i32>} : memref<8192xf32, #tpu.memory_space<vmem>>, vector<16xf32>,
        %get3A_306 = arith.index_cast %add3A_303 : i32 to index
        %get3A_307 = tpu.vector_load %arg10[%get3A_306] {strides = array<i32>} : memref<8192xf32, #tpu.memory_space<vmem>>, vector<16xf32>,
        %get3A_308 = arith.index_cast %add3A_303 : i32 to index
        %get3A_309 = tpu.vector_load %arg11[%get3A_308] {strides = array<i32>} : memref<8192xf32, #tpu.memory_space<vmem>>, vector<16xf32>,
        %add3A_310 = arith.constant 192 : i32
        %add3A_311 = arith.addi %mul3A_214, %add3A_310 : i32
        %get3A_312 = arith.index_cast %add3A_311 : i32 to index
        %get3A_313 = tpu.vector_load %arg9[%get3A_312] {strides = array<i32>} : memref<8192xf32, #tpu.memory_space<vmem>>, vector<16xf32>,
        %get3A_314 = arith.index_cast %add3A_311 : i32 to index
        %get3A_315 = tpu.vector_load %arg10[%get3A_314] {strides = array<i32>} : memref<8192xf32, #tpu.memory_space<vmem>>, vector<16xf32>,
        %get3A_316 = arith.index_cast %add3A_311 : i32 to index
        %get3A_317 = tpu.vector_load %arg11[%get3A_316] {strides = array<i32>} : memref<8192xf32, #tpu.memory_space<vmem>>, vector<16xf32>,
        %add3A_318 = arith.constant 208 : i32
        %add3A_319 = arith.addi %mul3A_214, %add3A_318 : i32
        %get3A_320 = arith.index_cast %add3A_319 : i32 to index
        %get3A_321 = tpu.vector_load %arg9[%get3A_320] {strides = array<i32>} : memref<8192xf32, #tpu.memory_space<vmem>>, vector<16xf32>,
        %get3A_322 = arith.index_cast %add3A_319 : i32 to index
        %get3A_323 = tpu.vector_load %arg10[%get3A_322] {strides = array<i32>} : memref<8192xf32, #tpu.memory_space<vmem>>, vector<16xf32>,
        %get3A_324 = arith.index_cast %add3A_319 : i32 to index
        %get3A_325 = tpu.vector_load %arg11[%get3A_324] {strides = array<i32>} : memref<8192xf32, #tpu.memory_space<vmem>>, vector<16xf32>,
        %add3A_326 = arith.constant 224 : i32
        %add3A_327 = arith.addi %mul3A_214, %add3A_326 : i32
        %get3A_328 = arith.index_cast %add3A_327 : i32 to index
        %get3A_329 = tpu.vector_load %arg9[%get3A_328] {strides = array<i32>} : memref<8192xf32, #tpu.memory_space<vmem>>, vector<16xf32>,
        %get3A_330 = arith.index_cast %add3A_327 : i32 to index
        %get3A_331 = tpu.vector_load %arg10[%get3A_330] {strides = array<i32>} : memref<8192xf32, #tpu.memory_space<vmem>>, vector<16xf32>,
        %get3A_332 = arith.index_cast %add3A_327 : i32 to index
        %get3A_333 = tpu.vector_load %arg11[%get3A_332] {strides = array<i32>} : memref<8192xf32, #tpu.memory_space<vmem>>, vector<16xf32>,
        %add3A_334 = arith.constant 240 : i32
        %add3A_335 = arith.addi %mul3A_214, %add3A_334 : i32
        %get3A_336 = arith.index_cast %add3A_335 : i32 to index
        %get3A_337 = tpu.vector_load %arg9[%get3A_336] {strides = array<i32>} : memref<8192xf32, #tpu.memory_space<vmem>>, vector<16xf32>,
        %get3A_338 = arith.index_cast %add3A_335 : i32 to index
        %get3A_339 = tpu.vector_load %arg10[%get3A_338] {strides = array<i32>} : memref<8192xf32, #tpu.memory_space<vmem>>, vector<16xf32>,
        %get3A_340 = arith.index_cast %add3A_335 : i32 to index
        %get3A_341 = tpu.vector_load %arg11[%get3A_340] {strides = array<i32>} : memref<8192xf32, #tpu.memory_space<vmem>>, vector<16xf32>,
        %sub3A = arith.subf %get3A_217, %get3A_219 : vector<16xf32>
        %sub3A_342 = arith.subf %get3A_219, %get3A_217 : vector<16xf32>
        %mul3A_343 = arith.mulf %sub3A, %sub3A_342 : vector<16xf32>
        %mul3A_344 = arith.constant 1.500000e+01 : f32
        %mul3A_345 = vector.broadcast %mul3A_344 : f32 to vector<16xf32>
        %mul3A_346 = arith.mulf %get3A_221, %mul3A_345 : vector<16xf32>
        %convert_element_type3A = arith.fptosi %mul3A_346 : vector<16xf32> to vector<16xi32>
        %mul3A_347 = arith.constant 16 : i32
        %mul3A_348 = vector.broadcast %mul3A_347 : i32 to vector<16xi32>
        %mul3A_349 = arith.muli %convert_element_type3A, %mul3A_348 : vector<16xi32>
        %add3A_350 = arith.addi %mul3A_349, %iota3A : vector<16xi32>
        %sub3A_351 = arith.subf %get3A_225, %get3A_227 : vector<16xf32>
        %sub3A_352 = arith.subf %get3A_227, %get3A_225 : vector<16xf32>
        %mul3A_353 = arith.mulf %sub3A_351, %sub3A_352 : vector<16xf32>
        %mul3A_354 = arith.constant 1.500000e+01 : f32
        %mul3A_355 = vector.broadcast %mul3A_354 : f32 to vector<16xf32>
        %mul3A_356 = arith.mulf %get3A_229, %mul3A_355 : vector<16xf32>
        %convert_element_type3A_357 = arith.fptosi %mul3A_356 : vector<16xf32> to vector<16xi32>
        %mul3A_358 = arith.constant 16 : i32
        %mul3A_359 = vector.broadcast %mul3A_358 : i32 to vector<16xi32>
        %mul3A_360 = arith.muli %convert_element_type3A_357, %mul3A_359 : vector<16xi32>
        %add3A_361 = arith.addi %mul3A_360, %iota3A : vector<16xi32>
        %sub3A_362 = arith.subf %get3A_233, %get3A_235 : vector<16xf32>
        %sub3A_363 = arith.subf %get3A_235, %get3A_233 : vector<16xf32>
        %mul3A_364 = arith.mulf %sub3A_362, %sub3A_363 : vector<16xf32>
        %mul3A_365 = arith.constant 1.500000e+01 : f32
        %mul3A_366 = vector.broadcast %mul3A_365 : f32 to vector<16xf32>
        %mul3A_367 = arith.mulf %get3A_237, %mul3A_366 : vector<16xf32>
        %convert_element_type3A_368 = arith.fptosi %mul3A_367 : vector<16xf32> to vector<16xi32>
        %mul3A_369 = arith.constant 16 : i32
        %mul3A_370 = vector.broadcast %mul3A_369 : i32 to vector<16xi32>
        %mul3A_371 = arith.muli %convert_element_type3A_368, %mul3A_370 : vector<16xi32>
        %add3A_372 = arith.addi %mul3A_371, %iota3A : vector<16xi32>
        %sub3A_373 = arith.subf %get3A_241, %get3A_243 : vector<16xf32>
        %sub3A_374 = arith.subf %get3A_243, %get3A_241 : vector<16xf32>
        %mul3A_375 = arith.mulf %sub3A_373, %sub3A_374 : vector<16xf32>
        %mul3A_376 = arith.constant 1.500000e+01 : f32
        %mul3A_377 = vector.broadcast %mul3A_376 : f32 to vector<16xf32>
        %mul3A_378 = arith.mulf %get3A_245, %mul3A_377 : vector<16xf32>
        %convert_element_type3A_379 = arith.fptosi %mul3A_378 : vector<16xf32> to vector<16xi32>
        %mul3A_380 = arith.constant 16 : i32
        %mul3A_381 = vector.broadcast %mul3A_380 : i32 to vector<16xi32>
        %mul3A_382 = arith.muli %convert_element_type3A_379, %mul3A_381 : vector<16xi32>
        %add3A_383 = arith.addi %mul3A_382, %iota3A : vector<16xi32>
        %sub3A_384 = arith.subf %get3A_249, %get3A_251 : vector<16xf32>
        %sub3A_385 = arith.subf %get3A_251, %get3A_249 : vector<16xf32>
        %mul3A_386 = arith.mulf %sub3A_384, %sub3A_385 : vector<16xf32>
        %mul3A_387 = arith.constant 1.500000e+01 : f32
        %mul3A_388 = vector.broadcast %mul3A_387 : f32 to vector<16xf32>
        %mul3A_389 = arith.mulf %get3A_253, %mul3A_388 : vector<16xf32>
        %convert_element_type3A_390 = arith.fptosi %mul3A_389 : vector<16xf32> to vector<16xi32>
        %mul3A_391 = arith.constant 16 : i32
        %mul3A_392 = vector.broadcast %mul3A_391 : i32 to vector<16xi32>
        %mul3A_393 = arith.muli %convert_element_type3A_390, %mul3A_392 : vector<16xi32>
        %add3A_394 = arith.addi %mul3A_393, %iota3A : vector<16xi32>
        %sub3A_395 = arith.subf %get3A_257, %get3A_259 : vector<16xf32>
        %sub3A_396 = arith.subf %get3A_259, %get3A_257 : vector<16xf32>
        %mul3A_397 = arith.mulf %sub3A_395, %sub3A_396 : vector<16xf32>
        %mul3A_398 = arith.constant 1.500000e+01 : f32
        %mul3A_399 = vector.broadcast %mul3A_398 : f32 to vector<16xf32>
        %mul3A_400 = arith.mulf %get3A_261, %mul3A_399 : vector<16xf32>
        %convert_element_type3A_401 = arith.fptosi %mul3A_400 : vector<16xf32> to vector<16xi32>
        %mul3A_402 = arith.constant 16 : i32
        %mul3A_403 = vector.broadcast %mul3A_402 : i32 to vector<16xi32>
        %mul3A_404 = arith.muli %convert_element_type3A_401, %mul3A_403 : vector<16xi32>
        %add3A_405 = arith.addi %mul3A_404, %iota3A : vector<16xi32>
        %sub3A_406 = arith.subf %get3A_265, %get3A_267 : vector<16xf32>
        %sub3A_407 = arith.subf %get3A_267, %get3A_265 : vector<16xf32>
        %mul3A_408 = arith.mulf %sub3A_406, %sub3A_407 : vector<16xf32>
        %mul3A_409 = arith.constant 1.500000e+01 : f32
        %mul3A_410 = vector.broadcast %mul3A_409 : f32 to vector<16xf32>
        %mul3A_411 = arith.mulf %get3A_269, %mul3A_410 : vector<16xf32>
        %convert_element_type3A_412 = arith.fptosi %mul3A_411 : vector<16xf32> to vector<16xi32>
        %mul3A_413 = arith.constant 16 : i32
        %mul3A_414 = vector.broadcast %mul3A_413 : i32 to vector<16xi32>
        %mul3A_415 = arith.muli %convert_element_type3A_412, %mul3A_414 : vector<16xi32>
        %add3A_416 = arith.addi %mul3A_415, %iota3A : vector<16xi32>
        %sub3A_417 = arith.subf %get3A_273, %get3A_275 : vector<16xf32>
        %sub3A_418 = arith.subf %get3A_275, %get3A_273 : vector<16xf32>
        %mul3A_419 = arith.mulf %sub3A_417, %sub3A_418 : vector<16xf32>
        %mul3A_420 = arith.constant 1.500000e+01 : f32
        %mul3A_421 = vector.broadcast %mul3A_420 : f32 to vector<16xf32>
        %mul3A_422 = arith.mulf %get3A_277, %mul3A_421 : vector<16xf32>
        %convert_element_type3A_423 = arith.fptosi %mul3A_422 : vector<16xf32> to vector<16xi32>
        %mul3A_424 = arith.constant 16 : i32
        %mul3A_425 = vector.broadcast %mul3A_424 : i32 to vector<16xi32>
        %mul3A_426 = arith.muli %convert_element_type3A_423, %mul3A_425 : vector<16xi32>
        %add3A_427 = arith.addi %mul3A_426, %iota3A : vector<16xi32>
        %sub3A_428 = arith.subf %get3A_281, %get3A_283 : vector<16xf32>
        %sub3A_429 = arith.subf %get3A_283, %get3A_281 : vector<16xf32>
        %mul3A_430 = arith.mulf %sub3A_428, %sub3A_429 : vector<16xf32>
        %mul3A_431 = arith.constant 1.500000e+01 : f32
        %mul3A_432 = vector.broadcast %mul3A_431 : f32 to vector<16xf32>
        %mul3A_433 = arith.mulf %get3A_285, %mul3A_432 : vector<16xf32>
        %convert_element_type3A_434 = arith.fptosi %mul3A_433 : vector<16xf32> to vector<16xi32>
        %mul3A_435 = arith.constant 16 : i32
        %mul3A_436 = vector.broadcast %mul3A_435 : i32 to vector<16xi32>
        %mul3A_437 = arith.muli %convert_element_type3A_434, %mul3A_436 : vector<16xi32>
        %add3A_438 = arith.addi %mul3A_437, %iota3A : vector<16xi32>
        %sub3A_439 = arith.subf %get3A_289, %get3A_291 : vector<16xf32>
        %sub3A_440 = arith.subf %get3A_291, %get3A_289 : vector<16xf32>
        %mul3A_441 = arith.mulf %sub3A_439, %sub3A_440 : vector<16xf32>
        %mul3A_442 = arith.constant 1.500000e+01 : f32
        %mul3A_443 = vector.broadcast %mul3A_442 : f32 to vector<16xf32>
        %mul3A_444 = arith.mulf %get3A_293, %mul3A_443 : vector<16xf32>
        %convert_element_type3A_445 = arith.fptosi %mul3A_444 : vector<16xf32> to vector<16xi32>
        %mul3A_446 = arith.constant 16 : i32
        %mul3A_447 = vector.broadcast %mul3A_446 : i32 to vector<16xi32>
        %mul3A_448 = arith.muli %convert_element_type3A_445, %mul3A_447 : vector<16xi32>
        %add3A_449 = arith.addi %mul3A_448, %iota3A : vector<16xi32>
        %sub3A_450 = arith.subf %get3A_297, %get3A_299 : vector<16xf32>
        %sub3A_451 = arith.subf %get3A_299, %get3A_297 : vector<16xf32>
        %mul3A_452 = arith.mulf %sub3A_450, %sub3A_451 : vector<16xf32>
        %mul3A_453 = arith.constant 1.500000e+01 : f32
        %mul3A_454 = vector.broadcast %mul3A_453 : f32 to vector<16xf32>
        %mul3A_455 = arith.mulf %get3A_301, %mul3A_454 : vector<16xf32>
        %convert_element_type3A_456 = arith.fptosi %mul3A_455 : vector<16xf32> to vector<16xi32>
        %mul3A_457 = arith.constant 16 : i32
        %mul3A_458 = vector.broadcast %mul3A_457 : i32 to vector<16xi32>
        %mul3A_459 = arith.muli %convert_element_type3A_456, %mul3A_458 : vector<16xi32>
        %add3A_460 = arith.addi %mul3A_459, %iota3A : vector<16xi32>
        %sub3A_461 = arith.subf %get3A_305, %get3A_307 : vector<16xf32>
        %sub3A_462 = arith.subf %get3A_307, %get3A_305 : vector<16xf32>
        %mul3A_463 = arith.mulf %sub3A_461, %sub3A_462 : vector<16xf32>
        %mul3A_464 = arith.constant 1.500000e+01 : f32
        %mul3A_465 = vector.broadcast %mul3A_464 : f32 to vector<16xf32>
        %mul3A_466 = arith.mulf %get3A_309, %mul3A_465 : vector<16xf32>
        %convert_element_type3A_467 = arith.fptosi %mul3A_466 : vector<16xf32> to vector<16xi32>
        %mul3A_468 = arith.constant 16 : i32
        %mul3A_469 = vector.broadcast %mul3A_468 : i32 to vector<16xi32>
        %mul3A_470 = arith.muli %convert_element_type3A_467, %mul3A_469 : vector<16xi32>
        %add3A_471 = arith.addi %mul3A_470, %iota3A : vector<16xi32>
        %sub3A_472 = arith.subf %get3A_313, %get3A_315 : vector<16xf32>
        %sub3A_473 = arith.subf %get3A_315, %get3A_313 : vector<16xf32>
        %mul3A_474 = arith.mulf %sub3A_472, %sub3A_473 : vector<16xf32>
        %mul3A_475 = arith.constant 1.500000e+01 : f32
        %mul3A_476 = vector.broadcast %mul3A_475 : f32 to vector<16xf32>
        %mul3A_477 = arith.mulf %get3A_317, %mul3A_476 : vector<16xf32>
        %convert_element_type3A_478 = arith.fptosi %mul3A_477 : vector<16xf32> to vector<16xi32>
        %mul3A_479 = arith.constant 16 : i32
        %mul3A_480 = vector.broadcast %mul3A_479 : i32 to vector<16xi32>
        %mul3A_481 = arith.muli %convert_element_type3A_478, %mul3A_480 : vector<16xi32>
        %add3A_482 = arith.addi %mul3A_481, %iota3A : vector<16xi32>
        %sub3A_483 = arith.subf %get3A_321, %get3A_323 : vector<16xf32>
        %sub3A_484 = arith.subf %get3A_323, %get3A_321 : vector<16xf32>
        %mul3A_485 = arith.mulf %sub3A_483, %sub3A_484 : vector<16xf32>
        %mul3A_486 = arith.constant 1.500000e+01 : f32
        %mul3A_487 = vector.broadcast %mul3A_486 : f32 to vector<16xf32>
        %mul3A_488 = arith.mulf %get3A_325, %mul3A_487 : vector<16xf32>
        %convert_element_type3A_489 = arith.fptosi %mul3A_488 : vector<16xf32> to vector<16xi32>
        %mul3A_490 = arith.constant 16 : i32
        %mul3A_491 = vector.broadcast %mul3A_490 : i32 to vector<16xi32>
        %mul3A_492 = arith.muli %convert_element_type3A_489, %mul3A_491 : vector<16xi32>
        %add3A_493 = arith.addi %mul3A_492, %iota3A : vector<16xi32>
        %sub3A_494 = arith.subf %get3A_329, %get3A_331 : vector<16xf32>
        %sub3A_495 = arith.subf %get3A_331, %get3A_329 : vector<16xf32>
        %mul3A_496 = arith.mulf %sub3A_494, %sub3A_495 : vector<16xf32>
        %mul3A_497 = arith.constant 1.500000e+01 : f32
        %mul3A_498 = vector.broadcast %mul3A_497 : f32 to vector<16xf32>
        %mul3A_499 = arith.mulf %get3A_333, %mul3A_498 : vector<16xf32>
        %convert_element_type3A_500 = arith.fptosi %mul3A_499 : vector<16xf32> to vector<16xi32>
        %mul3A_501 = arith.constant 16 : i32
        %mul3A_502 = vector.broadcast %mul3A_501 : i32 to vector<16xi32>
        %mul3A_503 = arith.muli %convert_element_type3A_500, %mul3A_502 : vector<16xi32>
        %add3A_504 = arith.addi %mul3A_503, %iota3A : vector<16xi32>
        %sub3A_505 = arith.subf %get3A_337, %get3A_339 : vector<16xf32>
        %sub3A_506 = arith.subf %get3A_339, %get3A_337 : vector<16xf32>
        %mul3A_507 = arith.mulf %sub3A_505, %sub3A_506 : vector<16xf32>
        %mul3A_508 = arith.constant 1.500000e+01 : f32
        %mul3A_509 = vector.broadcast %mul3A_508 : f32 to vector<16xf32>
        %mul3A_510 = arith.mulf %get3A_341, %mul3A_509 : vector<16xf32>
        %convert_element_type3A_511 = arith.fptosi %mul3A_510 : vector<16xf32> to vector<16xi32>
        %mul3A_512 = arith.constant 16 : i32
        %mul3A_513 = vector.broadcast %mul3A_512 : i32 to vector<16xi32>
        %mul3A_514 = arith.muli %convert_element_type3A_511, %mul3A_513 : vector<16xi32>
        %add3A_515 = arith.addi %mul3A_514, %iota3A : vector<16xi32>
        tpu.vector_store_idx %arg12[%add3A_350], %mul3A_343 {add = true} : memref<256xf32, #tpu.memory_space<vmem>>[vector<16xi32>], vector<16xf32>,
        tpu.vector_store_idx %arg13[%add3A_350], %get3A_221 {add = true} : memref<256xf32, #tpu.memory_space<vmem>>[vector<16xi32>], vector<16xf32>,
        tpu.vector_store_idx %arg14[%add3A_350], %broadcast_in_dim3A_100 {add = true} : memref<256xf32, #tpu.memory_space<vmem>>[vector<16xi32>], vector<16xf32>,
        tpu.vector_store_idx %arg12[%add3A_361], %mul3A_353 {add = true} : memref<256xf32, #tpu.memory_space<vmem>>[vector<16xi32>], vector<16xf32>,
        tpu.vector_store_idx %arg13[%add3A_361], %get3A_229 {add = true} : memref<256xf32, #tpu.memory_space<vmem>>[vector<16xi32>], vector<16xf32>,
        tpu.vector_store_idx %arg14[%add3A_361], %broadcast_in_dim3A_100 {add = true} : memref<256xf32, #tpu.memory_space<vmem>>[vector<16xi32>], vector<16xf32>,
        tpu.vector_store_idx %arg12[%add3A_372], %mul3A_364 {add = true} : memref<256xf32, #tpu.memory_space<vmem>>[vector<16xi32>], vector<16xf32>,
        tpu.vector_store_idx %arg13[%add3A_372], %get3A_237 {add = true} : memref<256xf32, #tpu.memory_space<vmem>>[vector<16xi32>], vector<16xf32>,
        tpu.vector_store_idx %arg14[%add3A_372], %broadcast_in_dim3A_100 {add = true} : memref<256xf32, #tpu.memory_space<vmem>>[vector<16xi32>], vector<16xf32>,
        tpu.vector_store_idx %arg12[%add3A_383], %mul3A_375 {add = true} : memref<256xf32, #tpu.memory_space<vmem>>[vector<16xi32>], vector<16xf32>,
        tpu.vector_store_idx %arg13[%add3A_383], %get3A_245 {add = true} : memref<256xf32, #tpu.memory_space<vmem>>[vector<16xi32>], vector<16xf32>,
        tpu.vector_store_idx %arg14[%add3A_383], %broadcast_in_dim3A_100 {add = true} : memref<256xf32, #tpu.memory_space<vmem>>[vector<16xi32>], vector<16xf32>,
        tpu.vector_store_idx %arg12[%add3A_394], %mul3A_386 {add = true} : memref<256xf32, #tpu.memory_space<vmem>>[vector<16xi32>], vector<16xf32>,
        tpu.vector_store_idx %arg13[%add3A_394], %get3A_253 {add = true} : memref<256xf32, #tpu.memory_space<vmem>>[vector<16xi32>], vector<16xf32>,
        tpu.vector_store_idx %arg14[%add3A_394], %broadcast_in_dim3A_100 {add = true} : memref<256xf32, #tpu.memory_space<vmem>>[vector<16xi32>], vector<16xf32>,
        tpu.vector_store_idx %arg12[%add3A_405], %mul3A_397 {add = true} : memref<256xf32, #tpu.memory_space<vmem>>[vector<16xi32>], vector<16xf32>,
        tpu.vector_store_idx %arg13[%add3A_405], %get3A_261 {add = true} : memref<256xf32, #tpu.memory_space<vmem>>[vector<16xi32>], vector<16xf32>,
        tpu.vector_store_idx %arg14[%add3A_405], %broadcast_in_dim3A_100 {add = true} : memref<256xf32, #tpu.memory_space<vmem>>[vector<16xi32>], vector<16xf32>,
        tpu.vector_store_idx %arg12[%add3A_416], %mul3A_408 {add = true} : memref<256xf32, #tpu.memory_space<vmem>>[vector<16xi32>], vector<16xf32>,
        tpu.vector_store_idx %arg13[%add3A_416], %get3A_269 {add = true} : memref<256xf32, #tpu.memory_space<vmem>>[vector<16xi32>], vector<16xf32>,
        tpu.vector_store_idx %arg14[%add3A_416], %broadcast_in_dim3A_100 {add = true} : memref<256xf32, #tpu.memory_space<vmem>>[vector<16xi32>], vector<16xf32>,
        tpu.vector_store_idx %arg12[%add3A_427], %mul3A_419 {add = true} : memref<256xf32, #tpu.memory_space<vmem>>[vector<16xi32>], vector<16xf32>,
        tpu.vector_store_idx %arg13[%add3A_427], %get3A_277 {add = true} : memref<256xf32, #tpu.memory_space<vmem>>[vector<16xi32>], vector<16xf32>,
        tpu.vector_store_idx %arg14[%add3A_427], %broadcast_in_dim3A_100 {add = true} : memref<256xf32, #tpu.memory_space<vmem>>[vector<16xi32>], vector<16xf32>,
        tpu.vector_store_idx %arg12[%add3A_438], %mul3A_430 {add = true} : memref<256xf32, #tpu.memory_space<vmem>>[vector<16xi32>], vector<16xf32>,
        tpu.vector_store_idx %arg13[%add3A_438], %get3A_285 {add = true} : memref<256xf32, #tpu.memory_space<vmem>>[vector<16xi32>], vector<16xf32>,
        tpu.vector_store_idx %arg14[%add3A_438], %broadcast_in_dim3A_100 {add = true} : memref<256xf32, #tpu.memory_space<vmem>>[vector<16xi32>], vector<16xf32>,
        tpu.vector_store_idx %arg12[%add3A_449], %mul3A_441 {add = true} : memref<256xf32, #tpu.memory_space<vmem>>[vector<16xi32>], vector<16xf32>,
        tpu.vector_store_idx %arg13[%add3A_449], %get3A_293 {add = true} : memref<256xf32, #tpu.memory_space<vmem>>[vector<16xi32>], vector<16xf32>,
        tpu.vector_store_idx %arg14[%add3A_449], %broadcast_in_dim3A_100 {add = true} : memref<256xf32, #tpu.memory_space<vmem>>[vector<16xi32>], vector<16xf32>,
        tpu.vector_store_idx %arg12[%add3A_460], %mul3A_452 {add = true} : memref<256xf32, #tpu.memory_space<vmem>>[vector<16xi32>], vector<16xf32>,
        tpu.vector_store_idx %arg13[%add3A_460], %get3A_301 {add = true} : memref<256xf32, #tpu.memory_space<vmem>>[vector<16xi32>], vector<16xf32>,
        tpu.vector_store_idx %arg14[%add3A_460], %broadcast_in_dim3A_100 {add = true} : memref<256xf32, #tpu.memory_space<vmem>>[vector<16xi32>], vector<16xf32>,
        tpu.vector_store_idx %arg12[%add3A_471], %mul3A_463 {add = true} : memref<256xf32, #tpu.memory_space<vmem>>[vector<16xi32>], vector<16xf32>,
        tpu.vector_store_idx %arg13[%add3A_471], %get3A_309 {add = true} : memref<256xf32, #tpu.memory_space<vmem>>[vector<16xi32>], vector<16xf32>,
        tpu.vector_store_idx %arg14[%add3A_471], %broadcast_in_dim3A_100 {add = true} : memref<256xf32, #tpu.memory_space<vmem>>[vector<16xi32>], vector<16xf32>,
        tpu.vector_store_idx %arg12[%add3A_482], %mul3A_474 {add = true} : memref<256xf32, #tpu.memory_space<vmem>>[vector<16xi32>], vector<16xf32>,
        tpu.vector_store_idx %arg13[%add3A_482], %get3A_317 {add = true} : memref<256xf32, #tpu.memory_space<vmem>>[vector<16xi32>], vector<16xf32>,
        tpu.vector_store_idx %arg14[%add3A_482], %broadcast_in_dim3A_100 {add = true} : memref<256xf32, #tpu.memory_space<vmem>>[vector<16xi32>], vector<16xf32>,
        tpu.vector_store_idx %arg12[%add3A_493], %mul3A_485 {add = true} : memref<256xf32, #tpu.memory_space<vmem>>[vector<16xi32>], vector<16xf32>,
        tpu.vector_store_idx %arg13[%add3A_493], %get3A_325 {add = true} : memref<256xf32, #tpu.memory_space<vmem>>[vector<16xi32>], vector<16xf32>,
        tpu.vector_store_idx %arg14[%add3A_493], %broadcast_in_dim3A_100 {add = true} : memref<256xf32, #tpu.memory_space<vmem>>[vector<16xi32>], vector<16xf32>,
        tpu.vector_store_idx %arg12[%add3A_504], %mul3A_496 {add = true} : memref<256xf32, #tpu.memory_space<vmem>>[vector<16xi32>], vector<16xf32>,
        tpu.vector_store_idx %arg13[%add3A_504], %get3A_333 {add = true} : memref<256xf32, #tpu.memory_space<vmem>>[vector<16xi32>], vector<16xf32>,
        tpu.vector_store_idx %arg14[%add3A_504], %broadcast_in_dim3A_100 {add = true} : memref<256xf32, #tpu.memory_space<vmem>>[vector<16xi32>], vector<16xf32>,
        tpu.vector_store_idx %arg12[%add3A_515], %mul3A_507 {add = true} : memref<256xf32, #tpu.memory_space<vmem>>[vector<16xi32>], vector<16xf32>,
        tpu.vector_store_idx %arg13[%add3A_515], %get3A_341 {add = true} : memref<256xf32, #tpu.memory_space<vmem>>[vector<16xi32>], vector<16xf32>,
        tpu.vector_store_idx %arg14[%add3A_515], %broadcast_in_dim3A_100 {add = true} : memref<256xf32, #tpu.memory_space<vmem>>[vector<16xi32>], vector<16xf32>,
      }
      %scan3A_194 = arith.constant 32 : i32
      %add3A_195 = arith.constant 1 : i32
      %add3A_196 = arith.addi %mul3A_146, %add3A_195 : i32
      %add3A_197 = arith.constant 2 : i32
      %add3A_198 = arith.addi %add3A_196, %add3A_197 : i32
      %lt3A_199 = arith.constant 32 : i32
      %lt3A_200 = arith.cmpi slt, %add3A_198, %lt3A_199 : i32
      %jit3A_201 = arith.constant 0 : i32
      %select_n3A_202 = arith.select %lt3A_200, %add3A_198, %jit3A_201 : i32
      %mul3A_203 = arith.constant 8192 : i32
      %mul3A_204 = arith.muli %select_n3A_202, %mul3A_203 : i32
      %add3A_205 = arith.addi %mul3A_2, %mul3A_204 : i32
      %dma_start3A_206 = tpu.memref_slice %arg2[%add3A_205] : memref<8388608xf32, #tpu.memory_space<hbm>> -> memref<8192xf32, #tpu.memory_space<hbm>>
      %dma_start3A_207 = tpu.memref_slice %arg2[%add3A_205] : memref<8388608xf32, #tpu.memory_space<hbm>> -> memref<8192xf32, #tpu.memory_space<hbm>>
      tpu.enqueue_dma source(%dma_start3A_207 : memref<8192xf32, #tpu.memory_space<hbm>>) target(%arg9 : memref<8192xf32, #tpu.memory_space<vmem>>) target_semaphore(%arg16 : memref<!tpu.dma_semaphore, #tpu.memory_space<semaphore_mem>>)
      %dma_start3A_208 = tpu.memref_slice %arg3[%add3A_205] : memref<8388608xf32, #tpu.memory_space<hbm>> -> memref<8192xf32, #tpu.memory_space<hbm>>
      %dma_start3A_209 = tpu.memref_slice %arg3[%add3A_205] : memref<8388608xf32, #tpu.memory_space<hbm>> -> memref<8192xf32, #tpu.memory_space<hbm>>
      tpu.enqueue_dma source(%dma_start3A_209 : memref<8192xf32, #tpu.memory_space<hbm>>) target(%arg10 : memref<8192xf32, #tpu.memory_space<vmem>>) target_semaphore(%arg16 : memref<!tpu.dma_semaphore, #tpu.memory_space<semaphore_mem>>)
      %dma_start3A_210 = tpu.memref_slice %arg4[%add3A_205] : memref<8388608xf32, #tpu.memory_space<hbm>> -> memref<8192xf32, #tpu.memory_space<hbm>>
      %dma_start3A_211 = tpu.memref_slice %arg4[%add3A_205] : memref<8388608xf32, #tpu.memory_space<hbm>> -> memref<8192xf32, #tpu.memory_space<hbm>>
      tpu.enqueue_dma source(%dma_start3A_211 : memref<8192xf32, #tpu.memory_space<hbm>>) target(%arg11 : memref<8192xf32, #tpu.memory_space<vmem>>) target_semaphore(%arg16 : memref<!tpu.dma_semaphore, #tpu.memory_space<semaphore_mem>>)
    }
    %scan3A_120 = arith.constant 16 : i32
    %dma_wait3A = arith.constant 0 : i32
    %dma_wait3A_121 = tpu.memref_slice %arg2[%dma_wait3A] : memref<8388608xf32, #tpu.memory_space<hbm>> -> memref<8192xf32, #tpu.memory_space<hbm>>
    %dma_wait3A_122 = arith.constant 0 : i32
    %dma_wait3A_123 = tpu.memref_slice %arg2[%dma_wait3A_122] : memref<8388608xf32, #tpu.memory_space<hbm>> -> memref<8192xf32, #tpu.memory_space<hbm>>
    tpu.wait_dma2 semaphore(%arg15 : memref<!tpu.dma_semaphore, #tpu.memory_space<semaphore_mem>>) src(%dma_wait3A_123 : memref<8192xf32, #tpu.memory_space<hbm>>) dst(%arg6 : memref<8192xf32, #tpu.memory_space<vmem>>)
    %dma_wait3A_124 = arith.constant 0 : i32
    %dma_wait3A_125 = tpu.memref_slice %arg3[%dma_wait3A_124] : memref<8388608xf32, #tpu.memory_space<hbm>> -> memref<8192xf32, #tpu.memory_space<hbm>>
    %dma_wait3A_126 = arith.constant 0 : i32
    %dma_wait3A_127 = tpu.memref_slice %arg3[%dma_wait3A_126] : memref<8388608xf32, #tpu.memory_space<hbm>> -> memref<8192xf32, #tpu.memory_space<hbm>>
    tpu.wait_dma2 semaphore(%arg15 : memref<!tpu.dma_semaphore, #tpu.memory_space<semaphore_mem>>) src(%dma_wait3A_127 : memref<8192xf32, #tpu.memory_space<hbm>>) dst(%arg7 : memref<8192xf32, #tpu.memory_space<vmem>>)
    %dma_wait3A_128 = arith.constant 0 : i32
    %dma_wait3A_129 = tpu.memref_slice %arg4[%dma_wait3A_128] : memref<8388608xf32, #tpu.memory_space<hbm>> -> memref<8192xf32, #tpu.memory_space<hbm>>
    %dma_wait3A_130 = arith.constant 0 : i32
    %dma_wait3A_131 = tpu.memref_slice %arg4[%dma_wait3A_130] : memref<8388608xf32, #tpu.memory_space<hbm>> -> memref<8192xf32, #tpu.memory_space<hbm>>
    tpu.wait_dma2 semaphore(%arg15 : memref<!tpu.dma_semaphore, #tpu.memory_space<semaphore_mem>>) src(%dma_wait3A_131 : memref<8192xf32, #tpu.memory_space<hbm>>) dst(%arg8 : memref<8192xf32, #tpu.memory_space<vmem>>)
    %dma_wait3A_132 = arith.constant 0 : i32
    %dma_wait3A_133 = tpu.memref_slice %arg2[%dma_wait3A_132] : memref<8388608xf32, #tpu.memory_space<hbm>> -> memref<8192xf32, #tpu.memory_space<hbm>>
    %dma_wait3A_134 = arith.constant 0 : i32
    %dma_wait3A_135 = tpu.memref_slice %arg2[%dma_wait3A_134] : memref<8388608xf32, #tpu.memory_space<hbm>> -> memref<8192xf32, #tpu.memory_space<hbm>>
    tpu.wait_dma2 semaphore(%arg16 : memref<!tpu.dma_semaphore, #tpu.memory_space<semaphore_mem>>) src(%dma_wait3A_135 : memref<8192xf32, #tpu.memory_space<hbm>>) dst(%arg9 : memref<8192xf32, #tpu.memory_space<vmem>>)
    %dma_wait3A_136 = arith.constant 0 : i32
    %dma_wait3A_137 = tpu.memref_slice %arg3[%dma_wait3A_136] : memref<8388608xf32, #tpu.memory_space<hbm>> -> memref<8192xf32, #tpu.memory_space<hbm>>
    %dma_wait3A_138 = arith.constant 0 : i32
    %dma_wait3A_139 = tpu.memref_slice %arg3[%dma_wait3A_138] : memref<8388608xf32, #tpu.memory_space<hbm>> -> memref<8192xf32, #tpu.memory_space<hbm>>
    tpu.wait_dma2 semaphore(%arg16 : memref<!tpu.dma_semaphore, #tpu.memory_space<semaphore_mem>>) src(%dma_wait3A_139 : memref<8192xf32, #tpu.memory_space<hbm>>) dst(%arg10 : memref<8192xf32, #tpu.memory_space<vmem>>)
    %dma_wait3A_140 = arith.constant 0 : i32
    %dma_wait3A_141 = tpu.memref_slice %arg4[%dma_wait3A_140] : memref<8388608xf32, #tpu.memory_space<hbm>> -> memref<8192xf32, #tpu.memory_space<hbm>>
    %dma_wait3A_142 = arith.constant 0 : i32
    %dma_wait3A_143 = tpu.memref_slice %arg4[%dma_wait3A_142] : memref<8388608xf32, #tpu.memory_space<hbm>> -> memref<8192xf32, #tpu.memory_space<hbm>>
    tpu.wait_dma2 semaphore(%arg16 : memref<!tpu.dma_semaphore, #tpu.memory_space<semaphore_mem>>) src(%dma_wait3A_143 : memref<8192xf32, #tpu.memory_space<hbm>>) dst(%arg11 : memref<8192xf32, #tpu.memory_space<vmem>>)
    "tpu.region"() ({
      %run_scoped3A = tpu.sem_alloc : memref<!tpu.dma_semaphore, #tpu.memory_space<semaphore_mem>>
      %dma_start3A_144 = arith.constant 0 : i32
      %dma_start3A_145 = tpu.memref_slice %arg5[%add3A, %dma_start3A_144] : memref<32x768xf32, #tpu.memory_space<hbm>> -> memref<1x256xf32, #tpu.memory_space<hbm>>
      %dma_start3A_146 = tpu.memref_squeeze %dma_start3A_145 : memref<1x256xf32, #tpu.memory_space<hbm>> -> memref<256xf32, #tpu.memory_space<hbm>>
      %dma_start3A_147 = arith.constant 0 : i32
      %dma_start3A_148 = tpu.memref_slice %arg5[%add3A, %dma_start3A_147] : memref<32x768xf32, #tpu.memory_space<hbm>> -> memref<1x256xf32, #tpu.memory_space<hbm>>
      %dma_start3A_149 = tpu.memref_squeeze %dma_start3A_148 : memref<1x256xf32, #tpu.memory_space<hbm>> -> memref<256xf32, #tpu.memory_space<hbm>>
      tpu.enqueue_dma source(%arg12 : memref<256xf32, #tpu.memory_space<vmem>>) target(%dma_start3A_149 : memref<256xf32, #tpu.memory_space<hbm>>) target_semaphore(%run_scoped3A : memref<!tpu.dma_semaphore, #tpu.memory_space<semaphore_mem>>)
      %dma_wait3A_150 = arith.constant 0 : i32
      %dma_wait3A_151 = tpu.memref_slice %arg5[%add3A, %dma_wait3A_150] : memref<32x768xf32, #tpu.memory_space<hbm>> -> memref<1x256xf32, #tpu.memory_space<hbm>>
      %dma_wait3A_152 = tpu.memref_squeeze %dma_wait3A_151 : memref<1x256xf32, #tpu.memory_space<hbm>> -> memref<256xf32, #tpu.memory_space<hbm>>
      %dma_wait3A_153 = arith.constant 0 : i32
      %dma_wait3A_154 = tpu.memref_slice %arg5[%add3A, %dma_wait3A_153] : memref<32x768xf32, #tpu.memory_space<hbm>> -> memref<1x256xf32, #tpu.memory_space<hbm>>
      %dma_wait3A_155 = tpu.memref_squeeze %dma_wait3A_154 : memref<1x256xf32, #tpu.memory_space<hbm>> -> memref<256xf32, #tpu.memory_space<hbm>>
      tpu.wait_dma2 semaphore(%run_scoped3A : memref<!tpu.dma_semaphore, #tpu.memory_space<semaphore_mem>>) src(%arg12 : memref<256xf32, #tpu.memory_space<vmem>>) dst(%dma_wait3A_155 : memref<256xf32, #tpu.memory_space<hbm>>)
      tpu.yield
    }) : () -> ()
    "tpu.region"() ({
      %run_scoped3A = tpu.sem_alloc : memref<!tpu.dma_semaphore, #tpu.memory_space<semaphore_mem>>
      %dma_start3A_144 = arith.constant 256 : i32
      %dma_start3A_145 = tpu.memref_slice %arg5[%add3A, %dma_start3A_144] : memref<32x768xf32, #tpu.memory_space<hbm>> -> memref<1x256xf32, #tpu.memory_space<hbm>>
      %dma_start3A_146 = tpu.memref_squeeze %dma_start3A_145 : memref<1x256xf32, #tpu.memory_space<hbm>> -> memref<256xf32, #tpu.memory_space<hbm>>
      %dma_start3A_147 = arith.constant 256 : i32
      %dma_start3A_148 = tpu.memref_slice %arg5[%add3A, %dma_start3A_147] : memref<32x768xf32, #tpu.memory_space<hbm>> -> memref<1x256xf32, #tpu.memory_space<hbm>>
      %dma_start3A_149 = tpu.memref_squeeze %dma_start3A_148 : memref<1x256xf32, #tpu.memory_space<hbm>> -> memref<256xf32, #tpu.memory_space<hbm>>
      tpu.enqueue_dma source(%arg13 : memref<256xf32, #tpu.memory_space<vmem>>) target(%dma_start3A_149 : memref<256xf32, #tpu.memory_space<hbm>>) target_semaphore(%run_scoped3A : memref<!tpu.dma_semaphore, #tpu.memory_space<semaphore_mem>>)
      %dma_wait3A_150 = arith.constant 256 : i32
      %dma_wait3A_151 = tpu.memref_slice %arg5[%add3A, %dma_wait3A_150] : memref<32x768xf32, #tpu.memory_space<hbm>> -> memref<1x256xf32, #tpu.memory_space<hbm>>
      %dma_wait3A_152 = tpu.memref_squeeze %dma_wait3A_151 : memref<1x256xf32, #tpu.memory_space<hbm>> -> memref<256xf32, #tpu.memory_space<hbm>>
      %dma_wait3A_153 = arith.constant 256 : i32
      %dma_wait3A_154 = tpu.memref_slice %arg5[%add3A, %dma_wait3A_153] : memref<32x768xf32, #tpu.memory_space<hbm>> -> memref<1x256xf32, #tpu.memory_space<hbm>>
      %dma_wait3A_155 = tpu.memref_squeeze %dma_wait3A_154 : memref<1x256xf32, #tpu.memory_space<hbm>> -> memref<256xf32, #tpu.memory_space<hbm>>
      tpu.wait_dma2 semaphore(%run_scoped3A : memref<!tpu.dma_semaphore, #tpu.memory_space<semaphore_mem>>) src(%arg13 : memref<256xf32, #tpu.memory_space<vmem>>) dst(%dma_wait3A_155 : memref<256xf32, #tpu.memory_space<hbm>>)
      tpu.yield
    }) : () -> ()
    "tpu.region"() ({
      %run_scoped3A = tpu.sem_alloc : memref<!tpu.dma_semaphore, #tpu.memory_space<semaphore_mem>>
      %dma_start3A_144 = arith.constant 512 : i32
      %dma_start3A_145 = tpu.memref_slice %arg5[%add3A, %dma_start3A_144] : memref<32x768xf32, #tpu.memory_space<hbm>> -> memref<1x256xf32, #tpu.memory_space<hbm>>
      %dma_start3A_146 = tpu.memref_squeeze %dma_start3A_145 : memref<1x256xf32, #tpu.memory_space<hbm>> -> memref<256xf32, #tpu.memory_space<hbm>>
      %dma_start3A_147 = arith.constant 512 : i32
      %dma_start3A_148 = tpu.memref_slice %arg5[%add3A, %dma_start3A_147] : memref<32x768xf32, #tpu.memory_space<hbm>> -> memref<1x256xf32, #tpu.memory_space<hbm>>
      %dma_start3A_149 = tpu.memref_squeeze %dma_start3A_148 : memref<1x256xf32, #tpu.memory_space<hbm>> -> memref<256xf32, #tpu.memory_space<hbm>>
      tpu.enqueue_dma source(%arg14 : memref<256xf32, #tpu.memory_space<vmem>>) target(%dma_start3A_149 : memref<256xf32, #tpu.memory_space<hbm>>) target_semaphore(%run_scoped3A : memref<!tpu.dma_semaphore, #tpu.memory_space<semaphore_mem>>)
      %dma_wait3A_150 = arith.constant 512 : i32
      %dma_wait3A_151 = tpu.memref_slice %arg5[%add3A, %dma_wait3A_150] : memref<32x768xf32, #tpu.memory_space<hbm>> -> memref<1x256xf32, #tpu.memory_space<hbm>>
      %dma_wait3A_152 = tpu.memref_squeeze %dma_wait3A_151 : memref<1x256xf32, #tpu.memory_space<hbm>> -> memref<256xf32, #tpu.memory_space<hbm>>
      %dma_wait3A_153 = arith.constant 512 : i32
      %dma_wait3A_154 = tpu.memref_slice %arg5[%add3A, %dma_wait3A_153] : memref<32x768xf32, #tpu.memory_space<hbm>> -> memref<1x256xf32, #tpu.memory_space<hbm>>
      %dma_wait3A_155 = tpu.memref_squeeze %dma_wait3A_154 : memref<1x256xf32, #tpu.memory_space<hbm>> -> memref<256xf32, #tpu.memory_space<hbm>>
      tpu.wait_dma2 semaphore(%run_scoped3A : memref<!tpu.dma_semaphore, #tpu.memory_space<semaphore_mem>>) src(%arg14 : memref<256xf32, #tpu.memory_space<vmem>>) dst(%dma_wait3A_155 : memref<256xf32, #tpu.memory_space<hbm>>)
      tpu.yield
    }) : () -> ()
    return
  }
}

module attributes {stable_mosaic.version = 14 : i64} {
  func.func @_finalize_body(%arg0: memref<32x256xf32, #tpu.memory_space<vmem>>, %arg1: memref<32x256xf32, #tpu.memory_space<vmem>>, %arg2: memref<32x256xf32, #tpu.memory_space<vmem>>, %arg3: memref<256x128xf32, #tpu.memory_space<vmem>>, %arg4: memref<8x128xf32, #tpu.memory_space<vmem>>, %arg5: memref<8x128xf32, #tpu.memory_space<vmem>>, %arg6: memref<8x128xf32, #tpu.memory_space<vmem>>, %arg7: memref<8x128xf32, #tpu.memory_space<vmem>>) attributes {dimension_semantics = [], scalar_prefetch = 0 : i64, scratch_operands = 0 : i64, tpu.core_type = #tpu.core_type<tc>} {
    %get3A = arith.constant 0 : index
    %get3A_0 = arith.constant 0 : index
    %get3A_1 = vector.load %arg0[%get3A, %get3A_0] : memref<32x256xf32, #tpu.memory_space<vmem>>, vector<32x256xf32>
    %reduce_sum3A = arith.constant dense<0.000000e+00> : vector<256xf32>
    %reduce_sum3A_2 = vector.multi_reduction <add>, %get3A_1, %reduce_sum3A [0] : vector<32x256xf32> to vector<256xf32>
    %broadcast_in_dim3A = vector.shape_cast %reduce_sum3A_2 : vector<256xf32> to vector<1x256xf32>
    %get3A_3 = arith.constant 0 : index
    %get3A_4 = arith.constant 0 : index
    %get3A_5 = vector.load %arg1[%get3A_3, %get3A_4] : memref<32x256xf32, #tpu.memory_space<vmem>>, vector<32x256xf32>
    %reduce_sum3A_6 = arith.constant dense<0.000000e+00> : vector<256xf32>
    %reduce_sum3A_7 = vector.multi_reduction <add>, %get3A_5, %reduce_sum3A_6 [0] : vector<32x256xf32> to vector<256xf32>
    %broadcast_in_dim3A_8 = vector.shape_cast %reduce_sum3A_7 : vector<256xf32> to vector<1x256xf32>
    %get3A_9 = arith.constant 0 : index
    %get3A_10 = arith.constant 0 : index
    %get3A_11 = vector.load %arg2[%get3A_9, %get3A_10] : memref<32x256xf32, #tpu.memory_space<vmem>>, vector<32x256xf32>
    %reduce_sum3A_12 = arith.constant dense<0.000000e+00> : vector<256xf32>
    %reduce_sum3A_13 = vector.multi_reduction <add>, %get3A_11, %reduce_sum3A_12 [0] : vector<32x256xf32> to vector<256xf32>
    %broadcast_in_dim3A_14 = vector.shape_cast %reduce_sum3A_13 : vector<256xf32> to vector<1x256xf32>
    %get3A_15 = arith.constant 0 : index
    %get3A_16 = arith.constant 0 : index
    %get3A_17 = vector.load %arg3[%get3A_15, %get3A_16] : memref<256x128xf32, #tpu.memory_space<vmem>>, vector<256x128xf32>
    %dot_general3A = arith.constant dense<0.000000e+00> : vector<1x128xf32>
    %dot_general3A_18 = tpu.matmul %broadcast_in_dim3A, %get3A_17, %dot_general3A {dimension_numbers = #tpu.dot_dimension_numbers<[1], [0], [0], [1], [0, 0, 1, 1], [], []>, transpose_lhs_hint = false} : vector<1x256xf32>, vector<256x128xf32>, vector<1x128xf32> -> vector<1x128xf32>
    %get3A_19 = arith.constant 0 : index
    %get3A_20 = arith.constant 0 : index
    %get3A_21 = vector.load %arg3[%get3A_19, %get3A_20] : memref<256x128xf32, #tpu.memory_space<vmem>>, vector<256x128xf32>
    %dot_general3A_22 = arith.constant dense<0.000000e+00> : vector<1x128xf32>
    %dot_general3A_23 = tpu.matmul %broadcast_in_dim3A_8, %get3A_21, %dot_general3A_22 {dimension_numbers = #tpu.dot_dimension_numbers<[1], [0], [0], [1], [0, 0, 1, 1], [], []>, transpose_lhs_hint = false} : vector<1x256xf32>, vector<256x128xf32>, vector<1x128xf32> -> vector<1x128xf32>
    %get3A_24 = arith.constant 0 : index
    %get3A_25 = arith.constant 0 : index
    %get3A_26 = vector.load %arg3[%get3A_24, %get3A_25] : memref<256x128xf32, #tpu.memory_space<vmem>>, vector<256x128xf32>
    %dot_general3A_27 = arith.constant dense<0.000000e+00> : vector<1x128xf32>
    %dot_general3A_28 = tpu.matmul %broadcast_in_dim3A_14, %get3A_26, %dot_general3A_27 {dimension_numbers = #tpu.dot_dimension_numbers<[1], [0], [0], [1], [0, 0, 1, 1], [], []>, transpose_lhs_hint = false} : vector<1x256xf32>, vector<256x128xf32>, vector<1x128xf32> -> vector<1x128xf32>
    %div3A = arith.constant 0x4B000000 : f32
    %div3A_29 = vector.broadcast %div3A : f32 to vector<1x128xf32>
    %div3A_30 = arith.divf %dot_general3A_28, %div3A_29 : vector<1x128xf32>
    %max3A = arith.constant 1.000000e+00 : f32
    %max3A_31 = vector.broadcast %max3A : f32 to vector<1x128xf32>
    %max3A_32 = arith.maximumf %dot_general3A_28, %max3A_31 : vector<1x128xf32>
    %div3A_33 = arith.divf %dot_general3A_18, %max3A_32 : vector<1x128xf32>
    %div3A_34 = arith.divf %dot_general3A_23, %max3A_32 : vector<1x128xf32>
    %gt3A = arith.constant 0.000000e+00 : f32
    %gt3A_35 = vector.broadcast %gt3A : f32 to vector<1x128xf32>
    %gt3A_36 = arith.cmpf ogt, %dot_general3A_28, %gt3A_35 : vector<1x128xf32>
    %sub3A = arith.subf %div3A_34, %div3A_33 : vector<1x128xf32>
    %abs3A = math.absf %sub3A : vector<1x128xf32>
    %mul3A = arith.mulf %abs3A, %div3A_30 : vector<1x128xf32>
    %jit3A = arith.constant 0.000000e+00 : f32
    %broadcast_in_dim3A_37 = vector.broadcast %jit3A : f32 to vector<1x128xf32>
    %select_n3A = arith.select %gt3A_36, %mul3A, %broadcast_in_dim3A_37 : vector<1x128xi1>, vector<1x128xf32>
    %reduce_sum3A_38 = arith.constant dense<0.000000e+00> : vector<1xf32>
    %reduce_sum3A_39 = vector.multi_reduction <add>, %select_n3A, %reduce_sum3A_38 [1] : vector<1x128xf32> to vector<1xf32>
    %broadcast_in_dim3A_40 = vector.shape_cast %reduce_sum3A_39 : vector<1xf32> to vector<1x1xf32>
    %broadcast_in_dim3A_41 = vector.shape_cast %broadcast_in_dim3A_40 : vector<1x1xf32> to vector<1x1xf32>
    %broadcast_in_dim3A_42 = vector.broadcast %broadcast_in_dim3A_41 : vector<1x1xf32> to vector<8x128xf32>
    %swap3A = arith.constant 0 : index
    %swap3A_43 = arith.constant 0 : index
    %swap3A_44 = vector.load %arg4[%swap3A, %swap3A_43] : memref<8x128xf32, #tpu.memory_space<vmem>>, vector<8x128xf32>
    tpu.vector_store %arg4[%swap3A, %swap3A_43], %broadcast_in_dim3A_42 {strides = array<i32>} : memref<8x128xf32, #tpu.memory_space<vmem>>, vector<8x128xf32>,
    %broadcast_in_dim3A_45 = vector.shape_cast %div3A_33 : vector<1x128xf32> to vector<1x128xf32>
    %broadcast_in_dim3A_46 = vector.broadcast %broadcast_in_dim3A_45 : vector<1x128xf32> to vector<8x128xf32>
    %swap3A_47 = arith.constant 0 : index
    %swap3A_48 = arith.constant 0 : index
    %swap3A_49 = vector.load %arg5[%swap3A_47, %swap3A_48] : memref<8x128xf32, #tpu.memory_space<vmem>>, vector<8x128xf32>
    tpu.vector_store %arg5[%swap3A_47, %swap3A_48], %broadcast_in_dim3A_46 {strides = array<i32>} : memref<8x128xf32, #tpu.memory_space<vmem>>, vector<8x128xf32>,
    %broadcast_in_dim3A_50 = vector.shape_cast %div3A_34 : vector<1x128xf32> to vector<1x128xf32>
    %broadcast_in_dim3A_51 = vector.broadcast %broadcast_in_dim3A_50 : vector<1x128xf32> to vector<8x128xf32>
    %swap3A_52 = arith.constant 0 : index
    %swap3A_53 = arith.constant 0 : index
    %swap3A_54 = vector.load %arg6[%swap3A_52, %swap3A_53] : memref<8x128xf32, #tpu.memory_space<vmem>>, vector<8x128xf32>
    tpu.vector_store %arg6[%swap3A_52, %swap3A_53], %broadcast_in_dim3A_51 {strides = array<i32>} : memref<8x128xf32, #tpu.memory_space<vmem>>, vector<8x128xf32>,
    %broadcast_in_dim3A_55 = vector.shape_cast %div3A_30 : vector<1x128xf32> to vector<1x128xf32>
    %broadcast_in_dim3A_56 = vector.broadcast %broadcast_in_dim3A_55 : vector<1x128xf32> to vector<8x128xf32>
    %swap3A_57 = arith.constant 0 : index
    %swap3A_58 = arith.constant 0 : index
    %swap3A_59 = vector.load %arg7[%swap3A_57, %swap3A_58] : memref<8x128xf32, #tpu.memory_space<vmem>>, vector<8x128xf32>
    tpu.vector_store %arg7[%swap3A_57, %swap3A_58], %broadcast_in_dim3A_56 {strides = array<i32>} : memref<8x128xf32, #tpu.memory_space<vmem>>, vector<8x128xf32>,
    return
  }
}

</mosaic_0001>

<sc_bundles>
// kernel: kernel.4.cloned.1.call-start
scs
__scs_entry_jumppad:
0x0: {  	(pc) =	sbr.rel $0x88, $3  }
0x1: {  	(tag) =	ssettag $0x0;
	lr =	simm.s32 $0x1  }
0x2: {  	[smem:$0x3F9E] =	sst lr;
	_ =	strace $0xD0000000  }
0x3: {  	_ = 	snop  }
0x4: {  	_ = 	snop  }
0x5: {  	_ = 	snop  }
0x6: {  	_ = 	snop  }
0x7: {  	_ = 	snop  }
__scs_overlays_trampoline_lowered:
0x8: {  	[smem:$0x3FAD] =	sst s0  }
0x9: {  	[smem:$0x3FAE] =	sst s1  }
0xa: {  	[smem:$0x3FAF] =	sst s2  }
0xb: {  	[smem:$0x3FB0] =	sst s3  }
0xc: {  	[smem:$0x3FB1] =	sst s4  }
0xd: {  	[smem:$0x3FB2] =	sst s5  }
0xe: {  	[smem:$0x3FB3] =	sst s6  }
0xf: {  	[smem:$0x3FB4] =	sst s7  }
0x10: {  	[smem:$0x3FB5] =	sst s8  }
0x11: {  	[smem:$0x3FB6] =	sst s9;
	s0 =	simm.s32 @!p0 $0x0  }
0x12: {  	s1 =	sld [smem:$0x3F9C];
	s0 =	simm.s32 @p0 $0x1  }
0x13: {  	[smem:$0x3FB7] =	sst s0;
	s0 =	simm.s32 @!p1 $0x0  }
0x14: {  	s2 =	sld [smem:$0x3F9B];
	s0 =	simm.s32 @p1 $0x1  }
0x15: {  	[smem:$0x3FB8] =	sst s0;
	s0 =	simm.s32 @!p2 $0x0  }
0x16: {  	s3 =	sld [smem:$0x3FDB];
	s0 =	simm.s32 @p2 $0x1  }
0x17: {  	s4 =	simm.s32 $0x1BF5;
	[smem:$0x3FBA] =	sst s0  }
0x18: {  	s0 =	sld [smem:$0x3F9D];
	_ =	swait.ge [sflag:s4], $0x0  }
0x19: {  	s7 =	sld [smem:$0x3F9E]  }
0x1a: {  	s8 =	sadd.s32 $0xFFFFE003, lr  }
0x1b: {  	s9 =	sadd.s32 $0xFFFFFEF7, lr;
	s5 =	simm.s32 $0xFFFFFFFF;
	p2 =	slt.u32 s8, $0xFFFFF086  }
0x1c: {  	p1 =	slt.u32 s9, $0xF7A;
	s5 =	simm.s32 @!p2 $0x0  }
0x1d: {  	s5 =	simm.s32 @p1 $0x1;
	p0 =	seq.s32 s7, s2  }
0x1e: {  	s7 =	smul.u32 @!p0 $0xF7A, s2;
	p2 =	seq.s32 @!p0 s5, $0x0  }
0x1f: {  	s9 =	smul.u32 $0xF7A, s1;
	s8 =	simm.s32 @!p0 $0x1BF5;
	p2 =	por !p2, p0  }
0x20: {  	[sflag:s8] =	ssyncset.s32 @!p0 $0xFFFFF086;
	s6 =	sadd.s32 @!p0 s3, s7;
	s7 =	simm.s32 @!p0 $0x108  }
0x21: {  	s3 =	sadd.s32 s3, s9;
	s6 =	sadd.s32 @!p0 $0x88, s6;
	s7 =	simm.s32 @p2 $0x1082  }
0x22: {  	[simem:s7], [sflag:s8] =	dma.local @!p0 [hbm:s6], $0xF7A  }
0x23: {  	s9 =	sor.u32 $0xD0000000, s2;
	s6 =	simm.s32 $0x108;
	_ =	swait.ge @!p0 [sflag:s8], $0x0  }
0x24: {  	s3 =	sadd.s32 $0x88, s3;
	s6 =	simm.s32 @!p1 $0x1082;
	[sflag:s4] =	ssyncset.s32 $0xFFFFF086  }
0x25: {  	[simem:s6], [sflag:s4] =	dma.local [hbm:s3], $0xF7A  }
0x26: {  	[smem:$0x3F9E] =	sst s1;
	(tag) =	ssettag s2;
	_ =	strace s9  }
0x27: {  	s1 =	sld [smem:$0x3FAE]  }
0x28: {  	s2 =	sld [smem:$0x3FAF]  }
0x29: {  	s4 =	sld [smem:$0x3FB1]  }
0x2a: {  	p0 =	seq.s32 s5, $0x0;
	s5 =	sld [smem:$0x3FB2]  }
0x2b: {  	s6 =	sld [smem:$0x3FB3]  }
0x2c: {  	s7 =	sld [smem:$0x3FB4]  }
0x2d: {  	s3 =	simm.s32 $0x108;
	s8 =	sld [smem:$0x3FB5]  }
0x2e: {  	s3 =	simm.s32 @!p0 $0x1082;
	s9 =	sld [smem:$0x3FB6]  }
0x2f: {  	lr =	sadd.s32 s0, s3;
	s0 =	sld [smem:$0x3FAD]  }
0x30: {  	s3 =	sld [smem:$0x3FB0]  }
0x31: {  	[smem:$0x3FB9] =	sst s10  }
0x32: {  	s10 =	sld [smem:$0x3FB7];
	_ =	sdelay $0x3  }
0x33: {  	p0 =	seq.s32 s10, $0x1;
	s10 =	sld [smem:$0x3FB9];
	_ =	sdelay $0x3  }
0x34: {  	[smem:$0x3FB9] =	sst s10  }
0x35: {  	s10 =	sld [smem:$0x3FB8];
	_ =	sdelay $0x3  }
0x36: {  	p1 =	seq.s32 s10, $0x1;
	s10 =	sld [smem:$0x3FB9];
	_ =	sdelay $0x3  }
0x37: {  	[smem:$0x3FB9] =	sst s10  }
0x38: {  	s10 =	sld [smem:$0x3FBA]  }
0x39: {  	_ = 	snop;
	(pc) =	sbr.ind lr, $3  }
0x3a: {  	_ = 	snop  }
0x3b: {  	_ = 	snop  }
0x3c: {  	p2 =	seq.s32 s10, $0x1;
	s10 =	sld [smem:$0x3FB9]  }
0x3d: {  	_ =	shalt  }
0x3e: {  	_ =	shalt  }
0x3f: {  	_ =	shalt  }
0x40: {  	_ =	shalt  }
0x41: {  	_ =	shalt  }
0x42: {  	_ =	shalt  }
0x43: {  	_ =	shalt  }
0x44: {  	_ =	shalt  }
0x45: {  	_ =	shalt  }
0x46: {  	_ =	shalt  }
0x47: {  	_ =	shalt  }
0x48: {  	_ =	shalt  }
0x49: {  	_ =	shalt  }
0x4a: {  	_ =	shalt  }
0x4b: {  	_ =	shalt  }
0x4c: {  	_ =	shalt  }
0x4d: {  	_ =	shalt  }
0x4e: {  	_ =	shalt  }
0x4f: {  	_ =	shalt  }
0x50: {  	_ =	shalt  }
0x51: {  	_ =	shalt  }
0x52: {  	_ =	shalt  }
0x53: {  	_ =	shalt  }
0x54: {  	_ =	shalt  }
0x55: {  	_ =	shalt  }
0x56: {  	_ =	shalt  }
0x57: {  	_ =	shalt  }
0x58: {  	_ =	shalt  }
0x59: {  	_ =	shalt  }
0x5a: {  	_ =	shalt  }
0x5b: {  	_ =	shalt  }
0x5c: {  	_ =	shalt  }
0x5d: {  	_ =	shalt  }
0x5e: {  	_ =	shalt  }
0x5f: {  	_ =	shalt  }
0x60: {  	_ =	shalt  }
0x61: {  	_ =	shalt  }
0x62: {  	_ =	shalt  }
0x63: {  	_ =	shalt  }
0x64: {  	_ =	shalt  }
0x65: {  	_ =	shalt  }
0x66: {  	_ =	shalt  }
0x67: {  	_ =	shalt  }
0x68: {  	_ =	shalt  }
0x69: {  	_ =	shalt  }
0x6a: {  	_ =	shalt  }
0x6b: {  	_ =	shalt  }
0x6c: {  	_ =	shalt  }
0x6d: {  	_ =	shalt  }
0x6e: {  	_ =	shalt  }
0x6f: {  	_ =	shalt  }
0x70: {  	_ =	shalt  }
0x71: {  	_ =	shalt  }
0x72: {  	_ =	shalt  }
0x73: {  	_ =	shalt  }
0x74: {  	_ =	shalt  }
0x75: {  	_ =	shalt  }
0x76: {  	_ =	shalt  }
0x77: {  	_ =	shalt  }
0x78: {  	_ =	shalt  }
0x79: {  	_ =	shalt  }
0x7a: {  	_ =	shalt  }
0x7b: {  	_ =	shalt  }
0x7c: {  	_ =	shalt  }
0x7d: {  	_ =	shalt  }
0x7e: {  	_ =	shalt  }
0x7f: {  	_ =	shalt  }
0x80: {  	_ =	shalt  }
0x81: {  	_ =	shalt  }
0x82: {  	_ =	shalt  }
0x83: {  	_ =	shalt  }
0x84: {  	_ =	shalt  }
0x85: {  	_ =	shalt  }
0x86: {  	_ =	shalt  }
0x87: {  	_ =	shalt  }
.Lfunc_end0:
.L_simem_size_0:
called_computation_lowered:
.L_overlay_start_0:
0x88: {  	s2 =	sld [smem:$0x3FD9]  }
0x89: {  	s3 =	sld [smem:$0x3FFE];
	_ =	sdelay $0x1  }
0x8a: {  	s1 =	srdreg.scid  }
0x8b: {  	s0 =	sand.u32 $0x1, s1  }
0x8c: {  	s17 =	sshll.u32 s0, $0xA;
	s2 =	sadd.s32 s3, s2  }
0x8d: {  	s2 =	sadd.s32 s2, s17  }
0x8e: {  	[smem:$0x3FC5] =	sst s2  }
0x8f: {  	_ = 	snop  }
0x90: {  	s2 =	sld [smem:$0x3FC9]  }
0x91: {  	s18 =	sld [smem:$0x3FC8]  }
0x92: {  	s4 =	sld [smem:$0x3FC7];
	(tm) =	ssettm $0x1  }
0x93: {  	s5 =	sld [smem:$0x3FFB];
	_ =	sdelay $0x3  }
0x94: {  	_ =	strace s5  }
0x95: {  	s5 =	sld [smem:$0x3FFC];
	_ =	sdelay $0x3  }
0x96: {  	_ =	strace s5  }
0x97: {  	s5 =	sld [smem:$0x3FFD];
	_ =	sdelay $0x3  }
0x98: {  	_ =	strace s5  }
0x99: {  	_ =	strace $0x8FFFFFFF  }
0x9a: {  	s19 =	sld [smem:$0x3FDB];
	_ =	sdelay $0x1  }
0x9b: {  	s6 =	simm.s32 $_scs_section_size  }
0x9c: {  	s7 =	simm.s32 $_size__tile_overlayer_lowered;
	s8 =	simm.s32 $_tile_overlayer_lowered  }
0x9d: {  	s22 =	simm.s32 $0x1BFF;
	s21 =	sshll.u32 s8, $0x1;
	s5 =	sadd.s32 s6, s19  }
0x9e: {  	s9 =	simm.s32 $0x0;
	s20 =	sshll.u32 s7, $0x1;
	s7 =	sadd.s32 s21, s5  }
0x9f: {  	[timem:s9], [sflag:s22] =	dma.local [hbm:s7], s20  }
0xa0: {  	_ =	swait.ge [sflag:s22], s20  }
0xa1: {  	s6 =	ssub.s32 $0x0, s20;
	[sflag:s22] =	ssyncset.done $0x0  }
0xa2: {  	[sflag:s22] =	ssyncadd.s32 s6;
	_ =	sdelay $0x1  }
0xa3: {  	s23 =	simm.s32 $0x1B8B  }
0xa4: {  	_ =	swait.ge [sflag:s23], $0x1  }
0xa5: {  	[sflag:s23] =	ssyncset.done $0x0  }
0xa6: {  	s25 =	simm.s32 $0x1B8E;
	s24 =	sld [smem:$0x3FFE];
	[sflag:s23] =	ssyncadd.s32 $0xFFFFFFFF  }
0xa7: {  	s26 =	simm.s32 $execute0_lowered;
	[smem:$0x3FD2] =	sst s25  }
0xa8: {  	s7 =	sshll.u32 s26, $0x1;
	_ =	strace $0x80000046;
	[dreg:$0x1] =	wrdreg $0xFFFFFFFF  }
0xa9: {  	s28 =	simm.s32 $_size_execute0_lowered;
	s5 =	sadd.s32 s5, s7;
	[dreg:$0x0] =	wrdreg $0x0  }
0xaa: {  	s7 =	sshll.u32 s28, $0x1;
	[dreg:$0x2] =	wrdreg s5  }
0xab: {  	[dreg:$0x3] =	wrdreg s7  }
0xac: {  	[dreg:$0x4] =	wrdreg $0xC0  }
0xad: {  	_ =	task [dreg:s9], $0x5FFFF  }
0xae: {  	[dreg:$0x1] =	wrdreg $0xFFFFFFFF  }
0xaf: {  	[dreg:$0x0] =	wrdreg $0x60  }
0xb0: {  	[dreg:$0x2] =	wrdreg s2  }
0xb1: {  	[dreg:$0x3] =	wrdreg s18  }
0xb2: {  	[dreg:$0x4] =	wrdreg s4  }
0xb3: {  	[dreg:$0x5] =	wrdreg s24  }
0xb4: {  	[dreg:$0x6] =	wrdreg $0x9  }
0xb5: {  	_ =	task.clear_ibuf [dreg:s9], $0x7FFFF;
	_ =	strace $0x90000046  }
0xb6: {  	s29 =	simm.s32 $0x9;
	_ =	strace $0x80000048  }
0xb7: {  	_ =	swait.ge [sflag:s29], $0x1  }
0xb8: {  	[sflag:s29] =	ssyncadd.s32 $0xFFFFFFFF  }
0xb9: {  	_ =	strace $0x90000048  }
0xba: {  	_ =	sfence  }
0xbb: {  	s30 =	sld [smem:$0x0];
	_ =	sdelay $0x2  }
0xbc: {  	s31 =	sshll.u32 s1, $0xD;
	s1 =	sshrl.u32 s1, $0x2  }
0xbd: {  	s3 =	sand.u32 $0x4000, s31;
	s1 =	sadd.s32 s1, s30  }
0xbe: {  	s0 =	sor.u32 s3, s0;
	s1 =	sshll.u32 s1, $0x11  }
0xbf: {  	s0 =	sor.u32 s1, s0  }
0xc0: {  	s0 =	sadd.s32 $0x8F2B, s0  }
0xc1: {  	[sflag:s0] =	ssyncadd.remote.s32 $0x1  }
0xc2: {  	_ =	sfence.sel $0xFFFF  }
0xc3: {  	[dreg:$0x0] =	wrdreg $0xFFFFFFFF;
	(pc) =	sbr.abs _section_cstart, $3  }
0xc4: {  	[dreg:$0x1] =	wrdreg $0xFFFFFFFF  }
0xc5: {  	_ =	task.clear_ibuf [dreg:s9], $0x2FFFF;
	_ =	strace $0x9FFFFFFF  }
0xc6: {  	(tm) =	ssettm $0x7FFFFFFF  }
0xc7: {  	_ =	shalt  }
tec
execute0_lowered:
.L_overlay_start_1:
0x0: {  	(tag) =	ssettag $0x1  }
0x1: {  	s1 =	rddreg [dreg:$0x0]  }
0x2: {  	s2 =	rddreg [dreg:$0x1]  }
0x3: {  	s3 =	rddreg [dreg:$0x2]  }
0x4: {  	s0 =	rddreg [dreg:$0x3];
	s5 =	simm.s32 $0x0;
	s4 =	srdreg.scid  }
0x5: {  	s9 =	stileid.u32;
	s17 =	simm.s32 $0x2000;
	s18 =	simm.s32 $0x4000  }
0x6: {  	s19 =	simm.s32 $0x6000;
	s20 =	simm.s32 $0x8000;
	s21 =	simm.s32 $0xA000  }
0x7: {  	s22 =	simm.s32 $0x1;
	s28 =	simm.s32 $0x80;
	s29 =	simm.s32 $0x400  }
0x8: {  	s30 =	simm.s32 $0x3;
	s31 =	simm.s32 $0x0;
	[smem:$0x7FF] =	sst s5  }
0x9: {  	s4 =	sand.u32 $0x1, s4;
	s0 =	sadd.s32 $0xA00, s0;
	s24 =	sshll.u32 s9, $0x7  }
0xa: {  	s6 =	ssub.s32 $0x2, s4;
	s4 =	sshll.u32 s4, $0x4;
	_ =	strace $0x80000047  }
0xb: {  	s12 =	sand.u32 $0x380, s24;
	s24 =	simm.s32 $0xC100;
	s4 =	sor.u32 s9, s4  }
0xc: {  	s7 =	sshrl.u32 s6, $0x1;
	s9 =	simm.s32 $0x0;
	s8 =	sshll.u32 s4, $0xF  }
0xd: {  	s7 =	ssub.s32 s6, s7;
	s6 =	sshll.u32 s4, $0x12;
	s10 =	sadd.s32 s1, s8  }
0xe: {  	s4 =	sshrl.u32 s4, $0x3;
	s23 =	sadd.s32 s2, s8;
	[dreg:$0x5] =	wrdreg s10  }
0xf: {  	s4 =	smul.u32 $0x1800, s4;
	s25 =	sadd.s32 s3, s8;
	[dreg:$0x6] =	wrdreg s23  }
0x10: {  	s8 =	sor.u32 $0x400, s8;
	s16 =	smax.u32 s7, $0x1;
	[dreg:$0x7] =	wrdreg s25  }
0x11: {  	s10 =	sadd.s32 s1, s8;
	s11 =	sadd.s32 s2, s8;
	s23 =	simm.s32 $0xC000  }
0x12: {  	s25 =	simm.s32 $0xC200;
	s4 =	sor.u32 s12, s4;
	s12 =	sadd.s32 s3, s8  }
0x13: {  	s26 =	sadd.s32 $0x800, s4;
	s13 =	sadd.s32 $0x1000, s4;
	s4 =	sshrl.u32 s4, $0x3  }
0x14: {  	s8 =	sshrl.u32 s26, $0x3;
	s15 =	sshrl.u32 s13, $0x3;
	s13 =	sadd.s32 s0, s4  }
0x15: {  	v0 =	vimm.f32 $0.0e+00;
	v1 =	vlaneseq.u32;
	v2 =	vimm.f32 $1.000000000e+00;
	s26 =	simm.s32 $0x2;
	s14 =	sadd.s32 s0, s8;
	s15 =	sadd.s32 s0, s15  }
.LBB2_1:
0x16: {  	[tilespmem:$0xC000] =	vst v0  }
0x17: {  	[tilespmem:$0xC100] =	vst v0  }
0x18: {  	[tilespmem:$0xC200] =	vst v0  }
0x19: {  	[tilespmem:$0xC010] =	vst v0  }
0x1a: {  	[tilespmem:$0xC110] =	vst v0  }
0x1b: {  	[tilespmem:$0xC210] =	vst v0  }
0x1c: {  	[tilespmem:$0xC020] =	vst v0  }
0x1d: {  	[tilespmem:$0xC120] =	vst v0  }
0x1e: {  	[tilespmem:$0xC220] =	vst v0  }
0x1f: {  	[tilespmem:$0xC030] =	vst v0  }
0x20: {  	[tilespmem:$0xC130] =	vst v0  }
0x21: {  	[tilespmem:$0xC230] =	vst v0  }
0x22: {  	[tilespmem:$0xC040] =	vst v0  }
0x23: {  	[tilespmem:$0xC140] =	vst v0  }
0x24: {  	[tilespmem:$0xC240] =	vst v0  }
0x25: {  	[tilespmem:$0xC050] =	vst v0  }
0x26: {  	[tilespmem:$0xC150] =	vst v0  }
0x27: {  	[tilespmem:$0xC250] =	vst v0  }
0x28: {  	[tilespmem:$0xC060] =	vst v0  }
0x29: {  	[tilespmem:$0xC160] =	vst v0  }
0x2a: {  	[tilespmem:$0xC260] =	vst v0  }
0x2b: {  	[tilespmem:$0xC070] =	vst v0  }
0x2c: {  	[tilespmem:$0xC170] =	vst v0  }
0x2d: {  	[tilespmem:$0xC270] =	vst v0  }
0x2e: {  	[tilespmem:$0xC080] =	vst v0  }
0x2f: {  	[tilespmem:$0xC180] =	vst v0  }
0x30: {  	[tilespmem:$0xC280] =	vst v0  }
0x31: {  	[tilespmem:$0xC090] =	vst v0  }
0x32: {  	[tilespmem:$0xC190] =	vst v0  }
0x33: {  	[tilespmem:$0xC290] =	vst v0  }
0x34: {  	[tilespmem:$0xC0A0] =	vst v0  }
0x35: {  	[tilespmem:$0xC1A0] =	vst v0  }
0x36: {  	[tilespmem:$0xC2A0] =	vst v0  }
0x37: {  	[tilespmem:$0xC0B0] =	vst v0  }
0x38: {  	[tilespmem:$0xC1B0] =	vst v0  }
0x39: {  	[tilespmem:$0xC2B0] =	vst v0  }
0x3a: {  	[tilespmem:$0xC0C0] =	vst v0  }
0x3b: {  	[tilespmem:$0xC1C0] =	vst v0  }
0x3c: {  	[tilespmem:$0xC2C0] =	vst v0  }
0x3d: {  	[tilespmem:$0xC0D0] =	vst v0  }
0x3e: {  	[tilespmem:$0xC1D0] =	vst v0  }
0x3f: {  	[tilespmem:$0xC2D0] =	vst v0  }
0x40: {  	[tilespmem:$0xC0E0] =	vst v0  }
0x41: {  	[tilespmem:$0xC1E0] =	vst v0  }
0x42: {  	[tilespmem:$0xC2E0] =	vst v0  }
0x43: {  	[tilespmem:$0xC0F0] =	vst v0  }
0x44: {  	[tilespmem:$0xC1F0] =	vst v0  }
0x45: {  	[tilespmem:$0xC2F0] =	vst v0;
	s0 =	rddreg [dreg:$0x5]  }
0x46: {  	[tilespmem:s5], [sflag:$0x1] =	stream.linear.gather [hbm4b:s0+s5], $0x2000, $0x38;
	[tilespmem:$0xC300] =	vst v63  }
0x47: {  	s7 =	rddreg [dreg:$0x6]  }
0x48: {  	[tilespmem:s17], [sflag:$0x1] =	stream.linear.gather [hbm4b:s7+s5], $0x2000, $0x38;
	[tilespmem:$0xC300] =	vst v63  }
0x49: {  	s8 =	rddreg [dreg:$0x7]  }
0x4a: {  	[tilespmem:s18], [sflag:$0x1] =	stream.linear.gather [hbm4b:s8+s5], $0x2000, $0x38;
	[tilespmem:$0xC300] =	vst v63  }
0x4b: {  	_ = 	snop  }
0x4c: {  	[tilespmem:s19], [sflag:$0x2] =	stream.linear.gather [hbm4b:s10+s5], $0x2000, $0x38;
	[tilespmem:$0xC300] =	vst v63  }
0x4d: {  	_ = 	snop  }
0x4e: {  	[tilespmem:s20], [sflag:$0x2] =	stream.linear.gather [hbm4b:s11+s5], $0x2000, $0x38;
	[tilespmem:$0xC300] =	vst v63  }
0x4f: {  	s0 =	simm.s32 $0x0  }
0x50: {  	[tilespmem:s21], [sflag:$0x2] =	stream.linear.gather [hbm4b:s12+s5], $0x2000, $0x38;
	[tilespmem:$0xC300] =	vst v63  }
.LBB2_2:
0x51: {  	_ =	swait.ge [sflag:s22], $0x2000  }
0x52: {  	[sflag:s22] =	ssyncset.done $0x0  }
0x53: {  	[sflag:s22] =	ssyncadd.s32 $0xFFFFE000  }
0x54: {  	_ =	swait.ge [sflag:s22], $0x2000  }
0x55: {  	[sflag:s22] =	ssyncset.done $0x0  }
0x56: {  	[sflag:s22] =	ssyncadd.s32 $0xFFFFE000  }
0x57: {  	_ =	swait.ge [sflag:s22], $0x2000  }
0x58: {  	[sflag:s22] =	ssyncset.done $0x0  }
0x59: {  	s4 =	simm.s32 $0x0;
	[sflag:s22] =	ssyncadd.s32 $0xFFFFE000  }
0x5a: {  	v4 =	vld [tilespmem:s4+$0x20F0]  }
0x5b: {  	v5 =	vld [tilespmem:s4+$0xF0]  }
0x5c: {  	v3 =	vld [tilespmem:s4+$0x40E0]  }
0x5d: {  	v21 =	vld [tilespmem:s4+$0x2080]  }
0x5e: {  	v6 =	vld [tilespmem:s4+$0xE0]  }
0x5f: {  	v24 =	vld [tilespmem:s4+$0x2050]  }
0x60: {  	v25 =	vld [tilespmem:s4+$0x4050]  }
0x61: {  	v7 =	vld [tilespmem:s4+$0x20D0]  }
0x62: {  	v26 =	vld [tilespmem:s4+$0x2060]  }
0x63: {  	v27 =	vld [tilespmem:s4+$0x2030]  }
0x64: {  	v28 =	vld [tilespmem:s4+$0x40]  }
0x65: {  	v23 =	vld [tilespmem:s4+$0x4060]  }
0x66: {  	v29 =	vld [tilespmem:s4+$0x60]  }
0x67: {  	v10 =	vld [tilespmem:s4+$0xB0]  }
0x68: {  	v18 =	vld [tilespmem:s4+$0x20A0]  }
0x69: {  	v30 =	vld [tilespmem:s4+$0x4040]  }
0x6a: {  	v15 =	vld [tilespmem:s4+$0x4090]  }
0x6b: {  	v31 =	vld [tilespmem:s4+$0x20]  }
0x6c: {  	v32 =	vld [tilespmem:s4+$0x2020]  }
0x6d: {  	v33 =	vld [tilespmem:s4+$0x50]  }
0x6e: {  	v22 =	vld [tilespmem:s4+$0x4070]  }
0x6f: {  	v34 =	vld [tilespmem:s4+$0x2040]  }
0x70: {  	v35 =	vld [tilespmem:s4+$0x4030]  }
0x71: {  	v36 =	vld [tilespmem:s4+$0x2070]  }
0x72: {  	v37 =	vld [tilespmem:s4+$0x30]  }
0x73: {  	v38 =	vld [tilespmem:s4+$0x4020]  }
0x74: {  	v39 =	vld [tilespmem:s4+$0x2010]  }
0x75: {  	v40 =	vld [tilespmem:s4+$0x10]  }
0x76: {  	v14 =	vld [tilespmem:s4+$0x2000]  }
0x77: {  	v41 =	vld [tilespmem:s4+$0x4010]  }
0x78: {  	v42 =	vld [tilespmem:s4+$0x0]  }
0x79: {  	v43 =	vld [tilespmem:s4+$0x4000]  }
0x7a: {  	v16 =	vld [tilespmem:s4+$0x40A0]  }
0x7b: {  	v11 =	vld [tilespmem:s4+$0x40B0]  }
0x7c: {  	v20 =	vld [tilespmem:s4+$0x20B0]  }
0x7d: {  	v44 =	vld [tilespmem:s4+$0x4080]  }
0x7e: {  	v17 =	vld [tilespmem:s4+$0xC0]  }
0x7f: {  	v19 =	vld [tilespmem:s4+$0x20C0];
	v8 =	vmul.f32 $1.500000000e+01, v43  }
0x80: {  	v13 =	vld [tilespmem:s4+$0xD0]  }
0x81: {  	v9 =	vld [tilespmem:s4+$0x40C0];
	v8 =	vtrunc.f32 v8  }
0x82: {  	v45 =	vld [tilespmem:s4+$0x70];
	v12 =	vmul.f32 $1.500000000e+01, v41;
	v46 =	vcvt.f32.s32 v8  }
0x83: {  	v50 =	vld [tilespmem:s4+$0x80];
	v49 =	vmul.f32 $1.500000000e+01, v38  }
0x84: {  	v54 =	vld [tilespmem:s4+$0x2090];
	v52 =	vsub.f32 v42, v14;
	v48 =	vtrunc.f32 v12;
	v46 =	vshll.u32 v46, $0x4  }
0x85: {  	v14 =	vsub.f32 v14, v42;
	v42 =	vld [tilespmem:s4+$0x90];
	v48 =	vcvt.f32.s32 v48;
	v46 =	vor.u32 v1, v46  }
0x86: {  	v55 =	vsub.f32 v39, v40;
	v39 =	vsub.f32 v40, v39;
	v40 =	vld [tilespmem:s4+$0xA0]  }
0x87: {  	v53 =	vmul.f32 $1.500000000e+01, v35;
	v12 =	vld [tilespmem:s4+$0x20E0];
	v49 =	vtrunc.f32 v49;
	v48 =	vshll.u32 v48, $0x4  }
0x88: {  	v52 =	vmul.f32 v14, v52;
	v14 =	vld [tilespmem:s4+$0x40F0];
	v49 =	vcvt.f32.s32 v49;
	v48 =	vor.u32 v1, v48  }
0x89: {  	v47 =	vsub.f32 v31, v32;
	v51 =	vmul.f32 $1.500000000e+01, v30;
	v8 =	vld [tilespmem:s4+$0x40D0]  }
0x8a: {  	v31 =	vsub.f32 v32, v31;
	v58 =	vtrunc.f32 v53;
	v49 =	vshll.u32 v49, $0x4;
	[tilespmem:v46+s23+$0x0] =	vst.idx.add.f32.msk $0xffff, v52  }
0x8b: {  	v39 =	vmul.f32 v55, v39;
	v32 =	vcvt.f32.s32 v58;
	v49 =	vor.u32 v1, v49;
	[tilespmem:v46+s24+$0x0] =	vst.idx.add.f32.msk $0xffff, v43  }
0x8c: {  	[tilespmem:v46+s25+$0x0] =	vst.idx.add.f32.msk $0xffff, v2  }
0x8d: {  	v61 =	vmul.f32 $1.500000000e+01, v25;
	v51 =	vtrunc.f32 v51;
	v32 =	vshll.u32 v32, $0x4;
	[tilespmem:v48+s23+$0x0] =	vst.idx.add.f32.msk $0xffff, v39  }
0x8e: {  	v31 =	vmul.f32 v31, v47;
	v59 =	vcvt.f32.s32 v51;
	v32 =	vor.u32 v1, v32;
	[tilespmem:v48+s24+$0x0] =	vst.idx.add.f32.msk $0xffff, v41  }
0x8f: {  	v62 =	vmul.f32 $1.500000000e+01, v23;
	v63 =	vsub.f32 v37, v27;
	v27 =	vsub.f32 v27, v37;
	[tilespmem:v48+s25+$0x0] =	vst.idx.add.f32.msk $0xffff, v2  }
0x90: {  	v37 =	vsub.f32 v50, v21;
	v60 =	vshll.u32 v59, $0x4;
	v43 =	vtrunc.f32 v61;
	[tilespmem:v49+s23+$0x0] =	vst.idx.add.f32.msk $0xffff, v31  }
0x91: {  	v27 =	vmul.f32 v27, v63;
	v39 =	vor.u32 v1, v60;
	v48 =	vcvt.f32.s32 v43;
	[tilespmem:v49+s24+$0x0] =	vst.idx.add.f32.msk $0xffff, v38  }
0x92: {  	v47 =	vsub.f32 v28, v34;
	v28 =	vsub.f32 v34, v28;
	[tilespmem:v49+s25+$0x0] =	vst.idx.add.f32.msk $0xffff, v2  }
0x93: {  	v51 =	vmul.f32 $1.500000000e+01, v22;
	v52 =	vtrunc.f32 v62;
	v31 =	vshll.u32 v48, $0x4;
	[tilespmem:v32+s23+$0x0] =	vst.idx.add.f32.msk $0xffff, v27  }
0x94: {  	v28 =	vmul.f32 v28, v47;
	v55 =	vcvt.f32.s32 v52;
	v31 =	vor.u32 v1, v31;
	[tilespmem:v32+s24+$0x0] =	vst.idx.add.f32.msk $0xffff, v35  }
0x95: {  	v57 =	vmul.f32 $1.500000000e+01, v44;
	v53 =	vsub.f32 v33, v24;
	v24 =	vsub.f32 v24, v33;
	[tilespmem:v32+s25+$0x0] =	vst.idx.add.f32.msk $0xffff, v2  }
0x96: {  	v21 =	vsub.f32 v21, v50;
	v56 =	vtrunc.f32 v51;
	v27 =	vshll.u32 v55, $0x4;
	[tilespmem:v39+s23+$0x0] =	vst.idx.add.f32.msk $0xffff, v28  }
0x97: {  	v24 =	vmul.f32 v24, v53;
	v27 =	vor.u32 v1, v27;
	v32 =	vcvt.f32.s32 v56;
	[tilespmem:v39+s24+$0x0] =	vst.idx.add.f32.msk $0xffff, v30  }
0x98: {  	v58 =	vsub.f32 v26, v29;
	v26 =	vsub.f32 v29, v26;
	[tilespmem:v39+s25+$0x0] =	vst.idx.add.f32.msk $0xffff, v2  }
0x99: {  	v59 =	vmul.f32 $1.500000000e+01, v15;
	v28 =	vtrunc.f32 v57;
	v32 =	vshll.u32 v32, $0x4;
	[tilespmem:v31+s23+$0x0] =	vst.idx.add.f32.msk $0xffff, v24  }
0x9a: {  	v60 =	vmul.f32 v58, v26;
	v61 =	vcvt.f32.s32 v28;
	v62 =	vor.u32 v1, v32;
	[tilespmem:v31+s24+$0x0] =	vst.idx.add.f32.msk $0xffff, v25  }
0x9b: {  	v63 =	vsub.f32 v45, v36;
	v33 =	vsub.f32 v36, v45;
	[tilespmem:v31+s25+$0x0] =	vst.idx.add.f32.msk $0xffff, v2  }
0x9c: {  	v34 =	vmul.f32 $1.500000000e+01, v16;
	v29 =	vtrunc.f32 v59;
	v26 =	vshll.u32 v61, $0x4;
	[tilespmem:v27+s23+$0x0] =	vst.idx.add.f32.msk $0xffff, v60  }
0x9d: {  	v35 =	vcvt.f32.s32 v29;
	v28 =	vmul.f32 v33, v63;
	v26 =	vor.u32 v1, v26;
	[tilespmem:v27+s24+$0x0] =	vst.idx.add.f32.msk $0xffff, v23  }
0x9e: {  	v21 =	vmul.f32 v21, v37;
	v36 =	vtrunc.f32 v34;
	[tilespmem:v27+s25+$0x0] =	vst.idx.add.f32.msk $0xffff, v2  }
0x9f: {  	v47 =	vsub.f32 v18, v40;
	v18 =	vsub.f32 v40, v18;
	v24 =	vshll.u32 v35, $0x4;
	[tilespmem:v62+s23+$0x0] =	vst.idx.add.f32.msk $0xffff, v28  }
0xa0: {  	v38 =	vmul.f32 $1.500000000e+01, v11;
	v39 =	vor.u32 v1, v24;
	v23 =	vcvt.f32.s32 v36;
	[tilespmem:v62+s24+$0x0] =	vst.idx.add.f32.msk $0xffff, v22  }
0xa1: {  	v41 =	vsub.f32 v42, v54;
	v42 =	vsub.f32 v54, v42;
	[tilespmem:v62+s25+$0x0] =	vst.idx.add.f32.msk $0xffff, v2  }
0xa2: {  	v43 =	vmul.f32 $1.500000000e+01, v9;
	v27 =	vtrunc.f32 v38;
	v23 =	vshll.u32 v23, $0x4;
	[tilespmem:v26+s23+$0x0] =	vst.idx.add.f32.msk $0xffff, v21  }
0xa3: {  	v45 =	vmul.f32 v42, v41;
	v46 =	vcvt.f32.s32 v27;
	v23 =	vor.u32 v1, v23;
	[tilespmem:v26+s24+$0x0] =	vst.idx.add.f32.msk $0xffff, v44  }
0xa4: {  	v51 =	vsub.f32 v10, v20;
	v10 =	vsub.f32 v20, v10;
	[tilespmem:v26+s25+$0x0] =	vst.idx.add.f32.msk $0xffff, v2  }
0xa5: {  	v18 =	vmul.f32 v47, v18;
	v25 =	vtrunc.f32 v43;
	v24 =	vshll.u32 v46, $0x4;
	[tilespmem:v39+s23+$0x0] =	vst.idx.add.f32.msk $0xffff, v45  }
0xa6: {  	v48 =	vmul.f32 $1.500000000e+01, v8;
	v49 =	vcvt.f32.s32 v25;
	v50 =	vor.u32 v1, v24;
	[tilespmem:v39+s24+$0x0] =	vst.idx.add.f32.msk $0xffff, v15  }
0xa7: {  	[tilespmem:v39+s25+$0x0] =	vst.idx.add.f32.msk $0xffff, v2  }
0xa8: {  	v10 =	vmul.f32 v10, v51;
	v53 =	vtrunc.f32 v48;
	v21 =	vshll.u32 v49, $0x4;
	[tilespmem:v23+s23+$0x0] =	vst.idx.add.f32.msk $0xffff, v18  }
0xa9: {  	v52 =	vmul.f32 $1.500000000e+01, v3;
	v54 =	vcvt.f32.s32 v53;
	v55 =	vor.u32 v1, v21;
	[tilespmem:v23+s24+$0x0] =	vst.idx.add.f32.msk $0xffff, v16  }
0xaa: {  	v56 =	vsub.f32 v17, v19;
	v17 =	vsub.f32 v19, v17;
	[tilespmem:v23+s25+$0x0] =	vst.idx.add.f32.msk $0xffff, v2  }
0xab: {  	v20 =	vtrunc.f32 v52;
	v58 =	vmul.f32 $1.500000000e+01, v14;
	v18 =	vshll.u32 v54, $0x4;
	[tilespmem:v50+s23+$0x0] =	vst.idx.add.f32.msk $0xffff, v10  }
0xac: {  	v57 =	vcvt.f32.s32 v20;
	v17 =	vmul.f32 v17, v56;
	v59 =	vor.u32 v1, v18;
	[tilespmem:v50+s24+$0x0] =	vst.idx.add.f32.msk $0xffff, v11  }
0xad: {  	v60 =	vsub.f32 v13, v7;
	v7 =	vsub.f32 v7, v13;
	[tilespmem:v50+s25+$0x0] =	vst.idx.add.f32.msk $0xffff, v2  }
0xae: {  	v61 =	vshll.u32 v57, $0x4;
	v10 =	vtrunc.f32 v58;
	[tilespmem:v55+s23+$0x0] =	vst.idx.add.f32.msk $0xffff, v17  }
0xaf: {  	v7 =	vmul.f32 v7, v60;
	v62 =	vor.u32 v1, v61;
	v10 =	vcvt.f32.s32 v10;
	[tilespmem:v55+s24+$0x0] =	vst.idx.add.f32.msk $0xffff, v9  }
0xb0: {  	v63 =	vsub.f32 v6, v12;
	v6 =	vsub.f32 v12, v6;
	[tilespmem:v55+s25+$0x0] =	vst.idx.add.f32.msk $0xffff, v2  }
0xb1: {  	v10 =	vshll.u32 v10, $0x4;
	[tilespmem:v59+s23+$0x0] =	vst.idx.add.f32.msk $0xffff, v7  }
0xb2: {  	v7 =	vmul.f32 v6, v63;
	v6 =	vor.u32 v1, v10;
	[tilespmem:v59+s24+$0x0] =	vst.idx.add.f32.msk $0xffff, v8  }
0xb3: {  	v8 =	vsub.f32 v5, v4;
	v4 =	vsub.f32 v4, v5;
	[tilespmem:v59+s25+$0x0] =	vst.idx.add.f32.msk $0xffff, v2  }
0xb4: {  	[tilespmem:v62+s23+$0x0] =	vst.idx.add.f32.msk $0xffff, v7  }
0xb5: {  	v4 =	vmul.f32 v4, v8;
	[tilespmem:v62+s24+$0x0] =	vst.idx.add.f32.msk $0xffff, v3  }
0xb6: {  	[tilespmem:v62+s25+$0x0] =	vst.idx.add.f32.msk $0xffff, v2  }
0xb7: {  	[tilespmem:v6+s23+$0x0] =	vst.idx.add.f32.msk $0xffff, v4  }
0xb8: {  	s4 =	simm.s32 $0x400;
	[tilespmem:v6+s24+$0x0] =	vst.idx.add.f32.msk $0xffff, v14  }
.LBB2_3:
0xb9: {  	s7 =	sshra.s32 s4, $0x2;
	p0 =	sne.s32 s4, $0x7C00;
	s4 =	sadd.s32 $0x400, s4;
	[tilespmem:v6+s25+$0x0] =	vst.idx.add.f32.msk $0xffff, v2  }
0xba: {  	v4 =	vld [tilespmem:s7+$0x20F0]  }
0xbb: {  	v5 =	vld [tilespmem:s7+$0xF0]  }
0xbc: {  	v3 =	vld [tilespmem:s7+$0x40E0]  }
0xbd: {  	v16 =	vld [tilespmem:s7+$0x2080]  }
0xbe: {  	v8 =	vld [tilespmem:s7+$0xE0]  }
0xbf: {  	v13 =	vld [tilespmem:s7+$0x2050]  }
0xc0: {  	v6 =	vld [tilespmem:s7+$0x4050];
	v7 =	vsub.f32 v5, v4;
	v4 =	vsub.f32 v4, v5  }
0xc1: {  	v10 =	vld [tilespmem:s7+$0x20D0];
	v5 =	vmul.f32 $1.500000000e+01, v3  }
0xc2: {  	v15 =	vld [tilespmem:s7+$0x2060];
	v4 =	vmul.f32 v4, v7  }
0xc3: {  	v20 =	vld [tilespmem:s7+$0x2030];
	v5 =	vtrunc.f32 v5  }
0xc4: {  	v21 =	vld [tilespmem:s7+$0x40];
	v5 =	vcvt.f32.s32 v5  }
0xc5: {  	v9 =	vld [tilespmem:s7+$0x4060]  }
0xc6: {  	v22 =	vld [tilespmem:s7+$0x60];
	v5 =	vshll.u32 v5, $0x4  }
0xc7: {  	v14 =	vld [tilespmem:s7+$0xB0]  }
0xc8: {  	v19 =	vld [tilespmem:s7+$0x20A0]  }
0xc9: {  	v12 =	vld [tilespmem:s7+$0x4040]  }
0xca: {  	v7 =	vld [tilespmem:s7+$0x4090]  }
0xcb: {  	v18 =	vld [tilespmem:s7+$0x20]  }
0xcc: {  	v23 =	vld [tilespmem:s7+$0x2020]  }
0xcd: {  	v24 =	vld [tilespmem:s7+$0x50]  }
0xce: {  	v11 =	vld [tilespmem:s7+$0x4070];
	v25 =	vmul.f32 $1.500000000e+01, v12  }
0xcf: {  	v26 =	vld [tilespmem:s7+$0x2040];
	v27 =	vmul.f32 $1.500000000e+01, v7  }
0xd0: {  	v17 =	vld [tilespmem:s7+$0x4030];
	v25 =	vtrunc.f32 v25  }
0xd1: {  	v31 =	vld [tilespmem:s7+$0x2070];
	v28 =	vsub.f32 v18, v23;
	v18 =	vsub.f32 v23, v18;
	v25 =	vcvt.f32.s32 v25  }
0xd2: {  	v30 =	vtrunc.f32 v27;
	v29 =	vld [tilespmem:s7+$0x30]  }
0xd3: {  	v23 =	vld [tilespmem:s7+$0x4020];
	v27 =	vmul.f32 v18, v28;
	v18 =	vshll.u32 v25, $0x4;
	v25 =	vmul.f32 $1.500000000e+01, v9  }
0xd4: {  	v33 =	vmul.f32 $1.500000000e+01, v11;
	v32 =	vld [tilespmem:s7+$0x2010];
	v28 =	vsub.f32 v21, v26;
	v18 =	vor.u32 v1, v18  }
0xd5: {  	v36 =	vcvt.f32.s32 v30;
	v34 =	vld [tilespmem:s7+$0x10];
	v35 =	vmul.f32 $1.500000000e+01, v17  }
0xd6: {  	v21 =	vsub.f32 v26, v21;
	v26 =	vtrunc.f32 v25;
	v30 =	vtrunc.f32 v33;
	v37 =	vld [tilespmem:s7+$0x2000]  }
0xd7: {  	v33 =	vld [tilespmem:s7+$0x4010];
	v38 =	vsub.f32 v29, v20;
	v25 =	vtrunc.f32 v35;
	v35 =	vsub.f32 v15, v22  }
0xd8: {  	v39 =	vld [tilespmem:s7+$0x0];
	v40 =	vcvt.f32.s32 v25;
	v25 =	vmul.f32 v21, v28;
	v21 =	vsub.f32 v22, v15  }
0xd9: {  	v42 =	vcvt.f32.s32 v26;
	v22 =	vmul.f32 $1.500000000e+01, v23;
	v28 =	vsub.f32 v24, v13;
	v41 =	vld [tilespmem:s7+$0x4000]  }
0xda: {  	v43 =	vmul.f32 $1.500000000e+01, v6;
	v20 =	vsub.f32 v20, v29;
	v24 =	vsub.f32 v13, v24;
	v15 =	vld [tilespmem:s7+$0x40A0]  }
0xdb: {  	v22 =	vtrunc.f32 v22;
	v40 =	vshll.u32 v40, $0x4;
	v26 =	vmul.f32 v35, v21;
	v13 =	vld [tilespmem:s7+$0x40B0]  }
0xdc: {  	v29 =	vmul.f32 v24, v28;
	v24 =	vshll.u32 v42, $0x4;
	v21 =	vcvt.f32.s32 v22;
	v35 =	vld [tilespmem:s7+$0x20B0]  }
0xdd: {  	v43 =	vtrunc.f32 v43;
	v44 =	vmul.f32 $1.500000000e+01, v33;
	v22 =	vld [tilespmem:s7+$0x4080];
	v42 =	vsub.f32 v39, v37  }
0xde: {  	v37 =	vsub.f32 v37, v39;
	v46 =	vshll.u32 v21, $0x4;
	v45 =	vld [tilespmem:s7+$0xC0];
	v39 =	vmul.f32 $1.500000000e+01, v41  }
0xdf: {  	v38 =	vmul.f32 v20, v38;
	v28 =	vshll.u32 v36, $0x4;
	v47 =	vld [tilespmem:s7+$0x20C0];
	v21 =	vmul.f32 $1.500000000e+01, v15  }
0xe0: {  	v44 =	vtrunc.f32 v44;
	v36 =	vld [tilespmem:s7+$0xD0];
	v39 =	vtrunc.f32 v39  }
0xe1: {  	v40 =	vor.u32 v1, v40;
	v44 =	vcvt.f32.s32 v44;
	v20 =	vld [tilespmem:s7+$0x40C0];
	v21 =	vtrunc.f32 v21  }
0xe2: {  	v49 =	vsub.f32 v32, v34;
	v39 =	vcvt.f32.s32 v39;
	v48 =	vld [tilespmem:s7+$0x70];
	v50 =	vcvt.f32.s32 v21  }
0xe3: {  	v52 =	vmul.f32 $1.500000000e+01, v13;
	v44 =	vshll.u32 v44, $0x4;
	v51 =	vmul.f32 $1.500000000e+01, v22;
	v21 =	vld [tilespmem:s7+$0x40D0]  }
0xe4: {  	v32 =	vsub.f32 v34, v32;
	v39 =	vshll.u32 v39, $0x4;
	v53 =	vld [tilespmem:s7+$0x20E0];
	v34 =	vshll.u32 v50, $0x4  }
0xe5: {  	v37 =	vmul.f32 v37, v42;
	v42 =	vtrunc.f32 v51;
	v39 =	vor.u32 v1, v39;
	v50 =	vld [tilespmem:s7+$0x80]  }
0xe6: {  	v32 =	vmul.f32 v49, v32;
	v44 =	vor.u32 v1, v44;
	v42 =	vcvt.f32.s32 v42;
	v51 =	vld [tilespmem:s7+$0x90]  }
0xe7: {  	v56 =	vor.u32 v1, v24;
	v55 =	vmul.f32 $1.500000000e+01, v20;
	v49 =	vld [tilespmem:s7+$0x2090];
	v54 =	vsub.f32 v48, v31  }
0xe8: {  	v31 =	vsub.f32 v31, v48;
	v42 =	vshll.u32 v42, $0x4;
	v24 =	vld [tilespmem:s7+$0x40F0];
	v48 =	vmul.f32 $1.500000000e+01, v21  }
0xe9: {  	v43 =	vcvt.f32.s32 v43;
	v46 =	vor.u32 v1, v46;
	v55 =	vtrunc.f32 v55;
	v57 =	vld [tilespmem:s7+$0xA0]  }
0xea: {  	v31 =	vmul.f32 v31, v54;
	v55 =	vcvt.f32.s32 v55;
	v54 =	vsub.f32 v50, v16;
	[tilespmem:v39+s23+$0x0] =	vst.idx.add.f32.msk $0xffff, v37  }
0xeb: {  	v37 =	vshll.u32 v43, $0x4;
	v16 =	vsub.f32 v16, v50;
	v43 =	vtrunc.f32 v48;
	[tilespmem:v39+s24+$0x0] =	vst.idx.add.f32.msk $0xffff, v41  }
0xec: {  	v48 =	vshll.u32 v55, $0x4;
	v37 =	vor.u32 v1, v37;
	v41 =	vsub.f32 v51, v49;
	[tilespmem:v39+s25+$0x0] =	vst.idx.add.f32.msk $0xffff, v2  }
0xed: {  	v16 =	vmul.f32 v16, v54;
	v39 =	vsub.f32 v49, v51;
	v49 =	vmul.f32 $1.500000000e+01, v24;
	[tilespmem:v44+s23+$0x0] =	vst.idx.add.f32.msk $0xffff, v32  }
0xee: {  	v50 =	vtrunc.f32 v52;
	v43 =	vcvt.f32.s32 v43;
	v32 =	vsub.f32 v19, v57;
	[tilespmem:v44+s24+$0x0] =	vst.idx.add.f32.msk $0xffff, v33  }
0xef: {  	v33 =	vmul.f32 v39, v41;
	v19 =	vsub.f32 v57, v19;
	v39 =	vtrunc.f32 v49;
	[tilespmem:v44+s25+$0x0] =	vst.idx.add.f32.msk $0xffff, v2  }
0xf0: {  	v43 =	vshll.u32 v43, $0x4;
	v41 =	vcvt.f32.s32 v50;
	v39 =	vcvt.f32.s32 v39;
	[tilespmem:v46+s23+$0x0] =	vst.idx.add.f32.msk $0xffff, v27  }
0xf1: {  	v27 =	vcvt.f32.s32 v30;
	v19 =	vmul.f32 v32, v19;
	v30 =	vsub.f32 v14, v35;
	[tilespmem:v46+s24+$0x0] =	vst.idx.add.f32.msk $0xffff, v23  }
0xf2: {  	v14 =	vsub.f32 v35, v14;
	v23 =	vshll.u32 v41, $0x4;
	v32 =	vshll.u32 v39, $0x4;
	[tilespmem:v46+s25+$0x0] =	vst.idx.add.f32.msk $0xffff, v2  }
0xf3: {  	v35 =	vsub.f32 v45, v47;
	v27 =	vshll.u32 v27, $0x4;
	v39 =	vsub.f32 v47, v45;
	[tilespmem:v40+s23+$0x0] =	vst.idx.add.f32.msk $0xffff, v38  }
0xf4: {  	v14 =	vmul.f32 v14, v30;
	[tilespmem:v40+s24+$0x0] =	vst.idx.add.f32.msk $0xffff, v17;
	v17 =	vor.u32 v1, v34  }
0xf5: {  	v30 =	vmul.f32 v39, v35;
	v34 =	vsub.f32 v8, v53;
	[tilespmem:v40+s25+$0x0] =	vst.idx.add.f32.msk $0xffff, v2  }
0xf6: {  	v35 =	vsub.f32 v36, v10;
	v8 =	vsub.f32 v53, v8;
	[tilespmem:v18+s23+$0x0] =	vst.idx.add.f32.msk $0xffff, v25  }
0xf7: {  	v10 =	vsub.f32 v10, v36;
	[tilespmem:v18+s24+$0x0] =	vst.idx.add.f32.msk $0xffff, v12  }
0xf8: {  	[tilespmem:v18+s25+$0x0] =	vst.idx.add.f32.msk $0xffff, v2  }
0xf9: {  	v10 =	vmul.f32 v10, v35;
	[tilespmem:v37+s23+$0x0] =	vst.idx.add.f32.msk $0xffff, v29  }
0xfa: {  	v12 =	vor.u32 v1, v42;
	[tilespmem:v37+s24+$0x0] =	vst.idx.add.f32.msk $0xffff, v6;
	v6 =	vor.u32 v1, v27  }
0xfb: {  	[tilespmem:v37+s25+$0x0] =	vst.idx.add.f32.msk $0xffff, v2  }
0xfc: {  	[tilespmem:v56+s23+$0x0] =	vst.idx.add.f32.msk $0xffff, v26  }
0xfd: {  	[tilespmem:v56+s24+$0x0] =	vst.idx.add.f32.msk $0xffff, v9  }
0xfe: {  	[tilespmem:v56+s25+$0x0] =	vst.idx.add.f32.msk $0xffff, v2  }
0xff: {  	[tilespmem:v6+s23+$0x0] =	vst.idx.add.f32.msk $0xffff, v31  }
0x100: {  	v9 =	vor.u32 v1, v28;
	[tilespmem:v6+s24+$0x0] =	vst.idx.add.f32.msk $0xffff, v11  }
0x101: {  	[tilespmem:v6+s25+$0x0] =	vst.idx.add.f32.msk $0xffff, v2  }
0x102: {  	[tilespmem:v12+s23+$0x0] =	vst.idx.add.f32.msk $0xffff, v16  }
0x103: {  	[tilespmem:v12+s24+$0x0] =	vst.idx.add.f32.msk $0xffff, v22  }
0x104: {  	[tilespmem:v12+s25+$0x0] =	vst.idx.add.f32.msk $0xffff, v2  }
0x105: {  	[tilespmem:v9+s23+$0x0] =	vst.idx.add.f32.msk $0xffff, v33  }
0x106: {  	v6 =	vor.u32 v1, v23;
	[tilespmem:v9+s24+$0x0] =	vst.idx.add.f32.msk $0xffff, v7  }
0x107: {  	[tilespmem:v9+s25+$0x0] =	vst.idx.add.f32.msk $0xffff, v2  }
0x108: {  	[tilespmem:v17+s23+$0x0] =	vst.idx.add.f32.msk $0xffff, v19  }
0x109: {  	v7 =	vor.u32 v1, v48;
	[tilespmem:v17+s24+$0x0] =	vst.idx.add.f32.msk $0xffff, v15  }
0x10a: {  	[tilespmem:v17+s25+$0x0] =	vst.idx.add.f32.msk $0xffff, v2  }
0x10b: {  	[tilespmem:v6+s23+$0x0] =	vst.idx.add.f32.msk $0xffff, v14  }
0x10c: {  	v9 =	vor.u32 v1, v43;
	[tilespmem:v6+s24+$0x0] =	vst.idx.add.f32.msk $0xffff, v13  }
0x10d: {  	[tilespmem:v6+s25+$0x0] =	vst.idx.add.f32.msk $0xffff, v2  }
0x10e: {  	[tilespmem:v7+s23+$0x0] =	vst.idx.add.f32.msk $0xffff, v30  }
0x10f: {  	v5 =	vor.u32 v1, v5;
	[tilespmem:v7+s24+$0x0] =	vst.idx.add.f32.msk $0xffff, v20  }
0x110: {  	[tilespmem:v7+s25+$0x0] =	vst.idx.add.f32.msk $0xffff, v2  }
0x111: {  	[tilespmem:v9+s23+$0x0] =	vst.idx.add.f32.msk $0xffff, v10  }
0x112: {  	v6 =	vor.u32 v1, v32;
	v7 =	vmul.f32 v8, v34;
	[tilespmem:v9+s24+$0x0] =	vst.idx.add.f32.msk $0xffff, v21  }
0x113: {  	[tilespmem:v9+s25+$0x0] =	vst.idx.add.f32.msk $0xffff, v2  }
.Ltmp0:
0x114: {  	[tilespmem:v5+s23+$0x0] =	vst.idx.add.f32.msk $0xffff, v7;
	(pc) =	sbr.rel @p0 .LBB2_3-.Ltmp0, $4  }
0x115: {  	[tilespmem:v5+s24+$0x0] =	vst.idx.add.f32.msk $0xffff, v3  }
0x116: {  	[tilespmem:v5+s25+$0x0] =	vst.idx.add.f32.msk $0xffff, v2  }
0x117: {  	[tilespmem:v6+s23+$0x0] =	vst.idx.add.f32.msk $0xffff, v4  }
0x118: {  	[tilespmem:v6+s24+$0x0] =	vst.idx.add.f32.msk $0xffff, v24  }
0x119: {  	s4 =	sshll.u32 s0, $0xE  }
0x11a: {  	p0 =	seq.s32 s0, $0xF;
	s7 =	sadd.s32 $0x4000, s4  }
0x11b: {  	s7 =	simm.s32 @p0 $0x0  }
0x11c: {  	s7 =	sadd.s32 s6, s7  }
0x11d: {  	s7 =	sshrl.u32 s7, $0x3  }
0x11e: {  	[tilespmem:v6+s25+$0x0] =	vst.idx.add.f32.msk $0xffff, v2;
	s8 =	sadd.s32 s1, s7  }
0x11f: {  	[tilespmem:s9], [sflag:$0x1] =	stream.linear.gather [hbm4b:s8+s9], $0x2000, $0x38;
	[tilespmem:$0xC300] =	vst v63  }
0x120: {  	s8 =	sadd.s32 s2, s7  }
0x121: {  	[tilespmem:s17], [sflag:$0x1] =	stream.linear.gather [hbm4b:s8+s9], $0x2000, $0x38;
	[tilespmem:$0xC300] =	vst v63  }
0x122: {  	s7 =	sadd.s32 s3, s7  }
0x123: {  	[tilespmem:s18], [sflag:$0x1] =	stream.linear.gather [hbm4b:s7+s9], $0x2000, $0x38;
	[tilespmem:$0xC300] =	vst v63  }
0x124: {  	_ =	swait.ge [sflag:s26], $0x2000  }
0x125: {  	[sflag:s26] =	ssyncset.done $0x0  }
0x126: {  	[sflag:s26] =	ssyncadd.s32 $0xFFFFE000  }
0x127: {  	_ =	swait.ge [sflag:s26], $0x2000  }
0x128: {  	[sflag:s26] =	ssyncset.done $0x0  }
0x129: {  	[sflag:s26] =	ssyncadd.s32 $0xFFFFE000  }
0x12a: {  	_ =	swait.ge [sflag:s26], $0x2000  }
0x12b: {  	[sflag:s26] =	ssyncset.done $0x0  }
0x12c: {  	s8 =	simm.s32 $0x0;
	[sflag:s26] =	ssyncadd.s32 $0xFFFFE000  }
0x12d: {  	v4 =	vld [tilespmem:s8+$0x80F0]  }
0x12e: {  	v5 =	vld [tilespmem:s8+$0x60F0]  }
0x12f: {  	v3 =	vld [tilespmem:s8+$0xA0E0]  }
0x130: {  	v21 =	vld [tilespmem:s8+$0x8080]  }
0x131: {  	v6 =	vld [tilespmem:s8+$0x60E0]  }
0x132: {  	v24 =	vld [tilespmem:s8+$0x8050]  }
0x133: {  	v25 =	vld [tilespmem:s8+$0xA050]  }
0x134: {  	v7 =	vld [tilespmem:s8+$0x80D0]  }
0x135: {  	v26 =	vld [tilespmem:s8+$0x8060]  }
0x136: {  	v27 =	vld [tilespmem:s8+$0x8030]  }
0x137: {  	v28 =	vld [tilespmem:s8+$0x6040]  }
0x138: {  	v23 =	vld [tilespmem:s8+$0xA060]  }
0x139: {  	v29 =	vld [tilespmem:s8+$0x6060]  }
0x13a: {  	v10 =	vld [tilespmem:s8+$0x60B0]  }
0x13b: {  	v18 =	vld [tilespmem:s8+$0x80A0]  }
0x13c: {  	v30 =	vld [tilespmem:s8+$0xA040]  }
0x13d: {  	v15 =	vld [tilespmem:s8+$0xA090]  }
0x13e: {  	v31 =	vld [tilespmem:s8+$0x6020]  }
0x13f: {  	v32 =	vld [tilespmem:s8+$0x8020]  }
0x140: {  	v33 =	vld [tilespmem:s8+$0x6050]  }
0x141: {  	v22 =	vld [tilespmem:s8+$0xA070]  }
0x142: {  	v34 =	vld [tilespmem:s8+$0x8040]  }
0x143: {  	v35 =	vld [tilespmem:s8+$0xA030]  }
0x144: {  	v36 =	vld [tilespmem:s8+$0x8070]  }
0x145: {  	v37 =	vld [tilespmem:s8+$0x6030]  }
0x146: {  	v38 =	vld [tilespmem:s8+$0xA020]  }
0x147: {  	v39 =	vld [tilespmem:s8+$0x8010]  }
0x148: {  	v40 =	vld [tilespmem:s8+$0x6010]  }
0x149: {  	v14 =	vld [tilespmem:s8+$0x8000]  }
0x14a: {  	v41 =	vld [tilespmem:s8+$0xA010]  }
0x14b: {  	v42 =	vld [tilespmem:s8+$0x6000]  }
0x14c: {  	v43 =	vld [tilespmem:s8+$0xA000]  }
0x14d: {  	v16 =	vld [tilespmem:s8+$0xA0A0]  }
0x14e: {  	v11 =	vld [tilespmem:s8+$0xA0B0]  }
0x14f: {  	v20 =	vld [tilespmem:s8+$0x80B0]  }
0x150: {  	v44 =	vld [tilespmem:s8+$0xA080]  }
0x151: {  	v17 =	vld [tilespmem:s8+$0x60C0]  }
0x152: {  	v19 =	vld [tilespmem:s8+$0x80C0];
	v8 =	vmul.f32 $1.500000000e+01, v43  }
0x153: {  	v13 =	vld [tilespmem:s8+$0x60D0]  }
0x154: {  	v9 =	vld [tilespmem:s8+$0xA0C0];
	v8 =	vtrunc.f32 v8  }
0x155: {  	v45 =	vld [tilespmem:s8+$0x6070];
	v12 =	vmul.f32 $1.500000000e+01, v41;
	v46 =	vcvt.f32.s32 v8  }
0x156: {  	v50 =	vld [tilespmem:s8+$0x6080];
	v49 =	vmul.f32 $1.500000000e+01, v38  }
0x157: {  	v54 =	vld [tilespmem:s8+$0x8090];
	v52 =	vsub.f32 v42, v14;
	v48 =	vtrunc.f32 v12;
	v46 =	vshll.u32 v46, $0x4  }
0x158: {  	v14 =	vsub.f32 v14, v42;
	v42 =	vld [tilespmem:s8+$0x6090];
	v48 =	vcvt.f32.s32 v48;
	v46 =	vor.u32 v1, v46  }
0x159: {  	v55 =	vsub.f32 v39, v40;
	v39 =	vsub.f32 v40, v39;
	v40 =	vld [tilespmem:s8+$0x60A0]  }
0x15a: {  	v53 =	vmul.f32 $1.500000000e+01, v35;
	v12 =	vld [tilespmem:s8+$0x80E0];
	v49 =	vtrunc.f32 v49;
	v48 =	vshll.u32 v48, $0x4  }
0x15b: {  	v52 =	vmul.f32 v14, v52;
	v14 =	vld [tilespmem:s8+$0xA0F0];
	v49 =	vcvt.f32.s32 v49;
	v48 =	vor.u32 v1, v48  }
0x15c: {  	v47 =	vsub.f32 v31, v32;
	v51 =	vmul.f32 $1.500000000e+01, v30;
	v8 =	vld [tilespmem:s8+$0xA0D0]  }
0x15d: {  	v31 =	vsub.f32 v32, v31;
	v58 =	vtrunc.f32 v53;
	v49 =	vshll.u32 v49, $0x4;
	[tilespmem:v46+s23+$0x0] =	vst.idx.add.f32.msk $0xffff, v52  }
0x15e: {  	v39 =	vmul.f32 v55, v39;
	v32 =	vcvt.f32.s32 v58;
	v49 =	vor.u32 v1, v49;
	[tilespmem:v46+s24+$0x0] =	vst.idx.add.f32.msk $0xffff, v43  }
0x15f: {  	[tilespmem:v46+s25+$0x0] =	vst.idx.add.f32.msk $0xffff, v2  }
0x160: {  	v61 =	vmul.f32 $1.500000000e+01, v25;
	v51 =	vtrunc.f32 v51;
	v32 =	vshll.u32 v32, $0x4;
	[tilespmem:v48+s23+$0x0] =	vst.idx.add.f32.msk $0xffff, v39  }
0x161: {  	v31 =	vmul.f32 v31, v47;
	v59 =	vcvt.f32.s32 v51;
	v32 =	vor.u32 v1, v32;
	[tilespmem:v48+s24+$0x0] =	vst.idx.add.f32.msk $0xffff, v41  }
0x162: {  	v62 =	vmul.f32 $1.500000000e+01, v23;
	v63 =	vsub.f32 v37, v27;
	v27 =	vsub.f32 v27, v37;
	[tilespmem:v48+s25+$0x0] =	vst.idx.add.f32.msk $0xffff, v2  }
0x163: {  	v37 =	vsub.f32 v50, v21;
	v60 =	vshll.u32 v59, $0x4;
	v43 =	vtrunc.f32 v61;
	[tilespmem:v49+s23+$0x0] =	vst.idx.add.f32.msk $0xffff, v31  }
0x164: {  	v27 =	vmul.f32 v27, v63;
	v39 =	vor.u32 v1, v60;
	v48 =	vcvt.f32.s32 v43;
	[tilespmem:v49+s24+$0x0] =	vst.idx.add.f32.msk $0xffff, v38  }
0x165: {  	v47 =	vsub.f32 v28, v34;
	v28 =	vsub.f32 v34, v28;
	[tilespmem:v49+s25+$0x0] =	vst.idx.add.f32.msk $0xffff, v2  }
0x166: {  	v51 =	vmul.f32 $1.500000000e+01, v22;
	v52 =	vtrunc.f32 v62;
	v31 =	vshll.u32 v48, $0x4;
	[tilespmem:v32+s23+$0x0] =	vst.idx.add.f32.msk $0xffff, v27  }
0x167: {  	v28 =	vmul.f32 v28, v47;
	v55 =	vcvt.f32.s32 v52;
	v31 =	vor.u32 v1, v31;
	[tilespmem:v32+s24+$0x0] =	vst.idx.add.f32.msk $0xffff, v35  }
0x168: {  	v57 =	vmul.f32 $1.500000000e+01, v44;
	v53 =	vsub.f32 v33, v24;
	v24 =	vsub.f32 v24, v33;
	[tilespmem:v32+s25+$0x0] =	vst.idx.add.f32.msk $0xffff, v2  }
0x169: {  	v21 =	vsub.f32 v21, v50;
	v56 =	vtrunc.f32 v51;
	v27 =	vshll.u32 v55, $0x4;
	[tilespmem:v39+s23+$0x0] =	vst.idx.add.f32.msk $0xffff, v28  }
0x16a: {  	v24 =	vmul.f32 v24, v53;
	v27 =	vor.u32 v1, v27;
	v32 =	vcvt.f32.s32 v56;
	[tilespmem:v39+s24+$0x0] =	vst.idx.add.f32.msk $0xffff, v30  }
0x16b: {  	v58 =	vsub.f32 v26, v29;
	v26 =	vsub.f32 v29, v26;
	[tilespmem:v39+s25+$0x0] =	vst.idx.add.f32.msk $0xffff, v2  }
0x16c: {  	v59 =	vmul.f32 $1.500000000e+01, v15;
	v28 =	vtrunc.f32 v57;
	v32 =	vshll.u32 v32, $0x4;
	[tilespmem:v31+s23+$0x0] =	vst.idx.add.f32.msk $0xffff, v24  }
0x16d: {  	v60 =	vmul.f32 v58, v26;
	v61 =	vcvt.f32.s32 v28;
	v62 =	vor.u32 v1, v32;
	[tilespmem:v31+s24+$0x0] =	vst.idx.add.f32.msk $0xffff, v25  }
0x16e: {  	v63 =	vsub.f32 v45, v36;
	v33 =	vsub.f32 v36, v45;
	[tilespmem:v31+s25+$0x0] =	vst.idx.add.f32.msk $0xffff, v2  }
0x16f: {  	v34 =	vmul.f32 $1.500000000e+01, v16;
	v29 =	vtrunc.f32 v59;
	v26 =	vshll.u32 v61, $0x4;
	[tilespmem:v27+s23+$0x0] =	vst.idx.add.f32.msk $0xffff, v60  }
0x170: {  	v35 =	vcvt.f32.s32 v29;
	v28 =	vmul.f32 v33, v63;
	v26 =	vor.u32 v1, v26;
	[tilespmem:v27+s24+$0x0] =	vst.idx.add.f32.msk $0xffff, v23  }
0x171: {  	v21 =	vmul.f32 v21, v37;
	v36 =	vtrunc.f32 v34;
	[tilespmem:v27+s25+$0x0] =	vst.idx.add.f32.msk $0xffff, v2  }
0x172: {  	v47 =	vsub.f32 v18, v40;
	v18 =	vsub.f32 v40, v18;
	v24 =	vshll.u32 v35, $0x4;
	[tilespmem:v62+s23+$0x0] =	vst.idx.add.f32.msk $0xffff, v28  }
0x173: {  	v38 =	vmul.f32 $1.500000000e+01, v11;
	v39 =	vor.u32 v1, v24;
	v23 =	vcvt.f32.s32 v36;
	[tilespmem:v62+s24+$0x0] =	vst.idx.add.f32.msk $0xffff, v22  }
0x174: {  	v41 =	vsub.f32 v42, v54;
	v42 =	vsub.f32 v54, v42;
	[tilespmem:v62+s25+$0x0] =	vst.idx.add.f32.msk $0xffff, v2  }
0x175: {  	v43 =	vmul.f32 $1.500000000e+01, v9;
	v27 =	vtrunc.f32 v38;
	v23 =	vshll.u32 v23, $0x4;
	[tilespmem:v26+s23+$0x0] =	vst.idx.add.f32.msk $0xffff, v21  }
0x176: {  	v45 =	vmul.f32 v42, v41;
	v46 =	vcvt.f32.s32 v27;
	v23 =	vor.u32 v1, v23;
	[tilespmem:v26+s24+$0x0] =	vst.idx.add.f32.msk $0xffff, v44  }
0x177: {  	v51 =	vsub.f32 v10, v20;
	v10 =	vsub.f32 v20, v10;
	[tilespmem:v26+s25+$0x0] =	vst.idx.add.f32.msk $0xffff, v2  }
0x178: {  	v18 =	vmul.f32 v47, v18;
	v25 =	vtrunc.f32 v43;
	v24 =	vshll.u32 v46, $0x4;
	[tilespmem:v39+s23+$0x0] =	vst.idx.add.f32.msk $0xffff, v45  }
0x179: {  	v48 =	vmul.f32 $1.500000000e+01, v8;
	v49 =	vcvt.f32.s32 v25;
	v50 =	vor.u32 v1, v24;
	[tilespmem:v39+s24+$0x0] =	vst.idx.add.f32.msk $0xffff, v15  }
0x17a: {  	[tilespmem:v39+s25+$0x0] =	vst.idx.add.f32.msk $0xffff, v2  }
0x17b: {  	v10 =	vmul.f32 v10, v51;
	v53 =	vtrunc.f32 v48;
	v21 =	vshll.u32 v49, $0x4;
	[tilespmem:v23+s23+$0x0] =	vst.idx.add.f32.msk $0xffff, v18  }
0x17c: {  	v52 =	vmul.f32 $1.500000000e+01, v3;
	v54 =	vcvt.f32.s32 v53;
	v55 =	vor.u32 v1, v21;
	[tilespmem:v23+s24+$0x0] =	vst.idx.add.f32.msk $0xffff, v16  }
0x17d: {  	v56 =	vsub.f32 v17, v19;
	v17 =	vsub.f32 v19, v17;
	[tilespmem:v23+s25+$0x0] =	vst.idx.add.f32.msk $0xffff, v2  }
0x17e: {  	v20 =	vtrunc.f32 v52;
	v58 =	vmul.f32 $1.500000000e+01, v14;
	v18 =	vshll.u32 v54, $0x4;
	[tilespmem:v50+s23+$0x0] =	vst.idx.add.f32.msk $0xffff, v10  }
0x17f: {  	v57 =	vcvt.f32.s32 v20;
	v17 =	vmul.f32 v17, v56;
	v59 =	vor.u32 v1, v18;
	[tilespmem:v50+s24+$0x0] =	vst.idx.add.f32.msk $0xffff, v11  }
0x180: {  	v60 =	vsub.f32 v13, v7;
	v7 =	vsub.f32 v7, v13;
	[tilespmem:v50+s25+$0x0] =	vst.idx.add.f32.msk $0xffff, v2  }
0x181: {  	v61 =	vshll.u32 v57, $0x4;
	v10 =	vtrunc.f32 v58;
	[tilespmem:v55+s23+$0x0] =	vst.idx.add.f32.msk $0xffff, v17  }
0x182: {  	v7 =	vmul.f32 v7, v60;
	v62 =	vor.u32 v1, v61;
	v10 =	vcvt.f32.s32 v10;
	[tilespmem:v55+s24+$0x0] =	vst.idx.add.f32.msk $0xffff, v9  }
0x183: {  	v63 =	vsub.f32 v6, v12;
	v6 =	vsub.f32 v12, v6;
	[tilespmem:v55+s25+$0x0] =	vst.idx.add.f32.msk $0xffff, v2  }
0x184: {  	v10 =	vshll.u32 v10, $0x4;
	[tilespmem:v59+s23+$0x0] =	vst.idx.add.f32.msk $0xffff, v7  }
0x185: {  	v7 =	vmul.f32 v6, v63;
	v6 =	vor.u32 v1, v10;
	[tilespmem:v59+s24+$0x0] =	vst.idx.add.f32.msk $0xffff, v8  }
0x186: {  	v8 =	vsub.f32 v5, v4;
	v4 =	vsub.f32 v4, v5;
	[tilespmem:v59+s25+$0x0] =	vst.idx.add.f32.msk $0xffff, v2  }
0x187: {  	[tilespmem:v62+s23+$0x0] =	vst.idx.add.f32.msk $0xffff, v7  }
0x188: {  	v4 =	vmul.f32 v4, v8;
	[tilespmem:v62+s24+$0x0] =	vst.idx.add.f32.msk $0xffff, v3  }
0x189: {  	[tilespmem:v62+s25+$0x0] =	vst.idx.add.f32.msk $0xffff, v2  }
0x18a: {  	[tilespmem:v6+s23+$0x0] =	vst.idx.add.f32.msk $0xffff, v4  }
0x18b: {  	s7 =	simm.s32 $0x400;
	[tilespmem:v6+s24+$0x0] =	vst.idx.add.f32.msk $0xffff, v14  }
.LBB2_5:
0x18c: {  	s8 =	sshra.s32 s7, $0x2;
	p1 =	sne.s32 s7, $0x7C00;
	s7 =	sadd.s32 $0x400, s7;
	[tilespmem:v6+s25+$0x0] =	vst.idx.add.f32.msk $0xffff, v2  }
0x18d: {  	v4 =	vld [tilespmem:s8+$0x80F0]  }
0x18e: {  	v5 =	vld [tilespmem:s8+$0x60F0]  }
0x18f: {  	v3 =	vld [tilespmem:s8+$0xA0E0]  }
0x190: {  	v16 =	vld [tilespmem:s8+$0x8080]  }
0x191: {  	v8 =	vld [tilespmem:s8+$0x60E0]  }
0x192: {  	v13 =	vld [tilespmem:s8+$0x8050]  }
0x193: {  	v6 =	vld [tilespmem:s8+$0xA050];
	v7 =	vsub.f32 v5, v4;
	v4 =	vsub.f32 v4, v5  }
0x194: {  	v10 =	vld [tilespmem:s8+$0x80D0];
	v5 =	vmul.f32 $1.500000000e+01, v3  }
0x195: {  	v15 =	vld [tilespmem:s8+$0x8060];
	v4 =	vmul.f32 v4, v7  }
0x196: {  	v20 =	vld [tilespmem:s8+$0x8030];
	v5 =	vtrunc.f32 v5  }
0x197: {  	v21 =	vld [tilespmem:s8+$0x6040];
	v5 =	vcvt.f32.s32 v5  }
0x198: {  	v9 =	vld [tilespmem:s8+$0xA060]  }
0x199: {  	v22 =	vld [tilespmem:s8+$0x6060];
	v5 =	vshll.u32 v5, $0x4  }
0x19a: {  	v14 =	vld [tilespmem:s8+$0x60B0]  }
0x19b: {  	v19 =	vld [tilespmem:s8+$0x80A0]  }
0x19c: {  	v12 =	vld [tilespmem:s8+$0xA040]  }
0x19d: {  	v7 =	vld [tilespmem:s8+$0xA090]  }
0x19e: {  	v18 =	vld [tilespmem:s8+$0x6020]  }
0x19f: {  	v23 =	vld [tilespmem:s8+$0x8020]  }
0x1a0: {  	v24 =	vld [tilespmem:s8+$0x6050]  }
0x1a1: {  	v11 =	vld [tilespmem:s8+$0xA070];
	v25 =	vmul.f32 $1.500000000e+01, v12  }
0x1a2: {  	v26 =	vld [tilespmem:s8+$0x8040];
	v27 =	vmul.f32 $1.500000000e+01, v7  }
0x1a3: {  	v17 =	vld [tilespmem:s8+$0xA030];
	v25 =	vtrunc.f32 v25  }
0x1a4: {  	v31 =	vld [tilespmem:s8+$0x8070];
	v28 =	vsub.f32 v18, v23;
	v18 =	vsub.f32 v23, v18;
	v25 =	vcvt.f32.s32 v25  }
0x1a5: {  	v30 =	vtrunc.f32 v27;
	v29 =	vld [tilespmem:s8+$0x6030]  }
0x1a6: {  	v23 =	vld [tilespmem:s8+$0xA020];
	v27 =	vmul.f32 v18, v28;
	v18 =	vshll.u32 v25, $0x4;
	v25 =	vmul.f32 $1.500000000e+01, v9  }
0x1a7: {  	v33 =	vmul.f32 $1.500000000e+01, v11;
	v32 =	vld [tilespmem:s8+$0x8010];
	v28 =	vsub.f32 v21, v26;
	v18 =	vor.u32 v1, v18  }
0x1a8: {  	v36 =	vcvt.f32.s32 v30;
	v34 =	vld [tilespmem:s8+$0x6010];
	v35 =	vmul.f32 $1.500000000e+01, v17  }
0x1a9: {  	v21 =	vsub.f32 v26, v21;
	v26 =	vtrunc.f32 v25;
	v30 =	vtrunc.f32 v33;
	v37 =	vld [tilespmem:s8+$0x8000]  }
0x1aa: {  	v33 =	vld [tilespmem:s8+$0xA010];
	v38 =	vsub.f32 v29, v20;
	v25 =	vtrunc.f32 v35;
	v35 =	vsub.f32 v15, v22  }
0x1ab: {  	v39 =	vld [tilespmem:s8+$0x6000];
	v40 =	vcvt.f32.s32 v25;
	v25 =	vmul.f32 v21, v28;
	v21 =	vsub.f32 v22, v15  }
0x1ac: {  	v42 =	vcvt.f32.s32 v26;
	v22 =	vmul.f32 $1.500000000e+01, v23;
	v28 =	vsub.f32 v24, v13;
	v41 =	vld [tilespmem:s8+$0xA000]  }
0x1ad: {  	v43 =	vmul.f32 $1.500000000e+01, v6;
	v20 =	vsub.f32 v20, v29;
	v24 =	vsub.f32 v13, v24;
	v15 =	vld [tilespmem:s8+$0xA0A0]  }
0x1ae: {  	v22 =	vtrunc.f32 v22;
	v40 =	vshll.u32 v40, $0x4;
	v26 =	vmul.f32 v35, v21;
	v13 =	vld [tilespmem:s8+$0xA0B0]  }
0x1af: {  	v29 =	vmul.f32 v24, v28;
	v24 =	vshll.u32 v42, $0x4;
	v21 =	vcvt.f32.s32 v22;
	v35 =	vld [tilespmem:s8+$0x80B0]  }
0x1b0: {  	v43 =	vtrunc.f32 v43;
	v44 =	vmul.f32 $1.500000000e+01, v33;
	v22 =	vld [tilespmem:s8+$0xA080];
	v42 =	vsub.f32 v39, v37  }
0x1b1: {  	v37 =	vsub.f32 v37, v39;
	v46 =	vshll.u32 v21, $0x4;
	v45 =	vld [tilespmem:s8+$0x60C0];
	v39 =	vmul.f32 $1.500000000e+01, v41  }
0x1b2: {  	v38 =	vmul.f32 v20, v38;
	v28 =	vshll.u32 v36, $0x4;
	v47 =	vld [tilespmem:s8+$0x80C0];
	v21 =	vmul.f32 $1.500000000e+01, v15  }
0x1b3: {  	v44 =	vtrunc.f32 v44;
	v36 =	vld [tilespmem:s8+$0x60D0];
	v39 =	vtrunc.f32 v39  }
0x1b4: {  	v40 =	vor.u32 v1, v40;
	v44 =	vcvt.f32.s32 v44;
	v20 =	vld [tilespmem:s8+$0xA0C0];
	v21 =	vtrunc.f32 v21  }
0x1b5: {  	v49 =	vsub.f32 v32, v34;
	v39 =	vcvt.f32.s32 v39;
	v48 =	vld [tilespmem:s8+$0x6070];
	v50 =	vcvt.f32.s32 v21  }
0x1b6: {  	v52 =	vmul.f32 $1.500000000e+01, v13;
	v44 =	vshll.u32 v44, $0x4;
	v51 =	vmul.f32 $1.500000000e+01, v22;
	v21 =	vld [tilespmem:s8+$0xA0D0]  }
0x1b7: {  	v32 =	vsub.f32 v34, v32;
	v39 =	vshll.u32 v39, $0x4;
	v53 =	vld [tilespmem:s8+$0x80E0];
	v34 =	vshll.u32 v50, $0x4  }
0x1b8: {  	v37 =	vmul.f32 v37, v42;
	v42 =	vtrunc.f32 v51;
	v39 =	vor.u32 v1, v39;
	v50 =	vld [tilespmem:s8+$0x6080]  }
0x1b9: {  	v32 =	vmul.f32 v49, v32;
	v44 =	vor.u32 v1, v44;
	v42 =	vcvt.f32.s32 v42;
	v51 =	vld [tilespmem:s8+$0x6090]  }
0x1ba: {  	v56 =	vor.u32 v1, v24;
	v55 =	vmul.f32 $1.500000000e+01, v20;
	v49 =	vld [tilespmem:s8+$0x8090];
	v54 =	vsub.f32 v48, v31  }
0x1bb: {  	v31 =	vsub.f32 v31, v48;
	v42 =	vshll.u32 v42, $0x4;
	v24 =	vld [tilespmem:s8+$0xA0F0];
	v48 =	vmul.f32 $1.500000000e+01, v21  }
0x1bc: {  	v43 =	vcvt.f32.s32 v43;
	v46 =	vor.u32 v1, v46;
	v55 =	vtrunc.f32 v55;
	v57 =	vld [tilespmem:s8+$0x60A0]  }
0x1bd: {  	v31 =	vmul.f32 v31, v54;
	v55 =	vcvt.f32.s32 v55;
	v54 =	vsub.f32 v50, v16;
	[tilespmem:v39+s23+$0x0] =	vst.idx.add.f32.msk $0xffff, v37  }
0x1be: {  	v37 =	vshll.u32 v43, $0x4;
	v16 =	vsub.f32 v16, v50;
	v43 =	vtrunc.f32 v48;
	[tilespmem:v39+s24+$0x0] =	vst.idx.add.f32.msk $0xffff, v41  }
0x1bf: {  	v48 =	vshll.u32 v55, $0x4;
	v37 =	vor.u32 v1, v37;
	v41 =	vsub.f32 v51, v49;
	[tilespmem:v39+s25+$0x0] =	vst.idx.add.f32.msk $0xffff, v2  }
0x1c0: {  	v16 =	vmul.f32 v16, v54;
	v39 =	vsub.f32 v49, v51;
	v49 =	vmul.f32 $1.500000000e+01, v24;
	[tilespmem:v44+s23+$0x0] =	vst.idx.add.f32.msk $0xffff, v32  }
0x1c1: {  	v50 =	vtrunc.f32 v52;
	v43 =	vcvt.f32.s32 v43;
	v32 =	vsub.f32 v19, v57;
	[tilespmem:v44+s24+$0x0] =	vst.idx.add.f32.msk $0xffff, v33  }
0x1c2: {  	v33 =	vmul.f32 v39, v41;
	v19 =	vsub.f32 v57, v19;
	v39 =	vtrunc.f32 v49;
	[tilespmem:v44+s25+$0x0] =	vst.idx.add.f32.msk $0xffff, v2  }
0x1c3: {  	v43 =	vshll.u32 v43, $0x4;
	v41 =	vcvt.f32.s32 v50;
	v39 =	vcvt.f32.s32 v39;
	[tilespmem:v46+s23+$0x0] =	vst.idx.add.f32.msk $0xffff, v27  }
0x1c4: {  	v27 =	vcvt.f32.s32 v30;
	v19 =	vmul.f32 v32, v19;
	v30 =	vsub.f32 v14, v35;
	[tilespmem:v46+s24+$0x0] =	vst.idx.add.f32.msk $0xffff, v23  }
0x1c5: {  	v14 =	vsub.f32 v35, v14;
	v23 =	vshll.u32 v41, $0x4;
	v32 =	vshll.u32 v39, $0x4;
	[tilespmem:v46+s25+$0x0] =	vst.idx.add.f32.msk $0xffff, v2  }
0x1c6: {  	v35 =	vsub.f32 v45, v47;
	v27 =	vshll.u32 v27, $0x4;
	v39 =	vsub.f32 v47, v45;
	[tilespmem:v40+s23+$0x0] =	vst.idx.add.f32.msk $0xffff, v38  }
0x1c7: {  	v14 =	vmul.f32 v14, v30;
	[tilespmem:v40+s24+$0x0] =	vst.idx.add.f32.msk $0xffff, v17;
	v17 =	vor.u32 v1, v34  }
0x1c8: {  	v30 =	vmul.f32 v39, v35;
	v34 =	vsub.f32 v8, v53;
	[tilespmem:v40+s25+$0x0] =	vst.idx.add.f32.msk $0xffff, v2  }
0x1c9: {  	v35 =	vsub.f32 v36, v10;
	v8 =	vsub.f32 v53, v8;
	[tilespmem:v18+s23+$0x0] =	vst.idx.add.f32.msk $0xffff, v25  }
0x1ca: {  	v10 =	vsub.f32 v10, v36;
	[tilespmem:v18+s24+$0x0] =	vst.idx.add.f32.msk $0xffff, v12  }
0x1cb: {  	[tilespmem:v18+s25+$0x0] =	vst.idx.add.f32.msk $0xffff, v2  }
0x1cc: {  	v10 =	vmul.f32 v10, v35;
	[tilespmem:v37+s23+$0x0] =	vst.idx.add.f32.msk $0xffff, v29  }
0x1cd: {  	v12 =	vor.u32 v1, v42;
	[tilespmem:v37+s24+$0x0] =	vst.idx.add.f32.msk $0xffff, v6;
	v6 =	vor.u32 v1, v27  }
0x1ce: {  	[tilespmem:v37+s25+$0x0] =	vst.idx.add.f32.msk $0xffff, v2  }
0x1cf: {  	[tilespmem:v56+s23+$0x0] =	vst.idx.add.f32.msk $0xffff, v26  }
0x1d0: {  	[tilespmem:v56+s24+$0x0] =	vst.idx.add.f32.msk $0xffff, v9  }
0x1d1: {  	[tilespmem:v56+s25+$0x0] =	vst.idx.add.f32.msk $0xffff, v2  }
0x1d2: {  	[tilespmem:v6+s23+$0x0] =	vst.idx.add.f32.msk $0xffff, v31  }
0x1d3: {  	v9 =	vor.u32 v1, v28;
	[tilespmem:v6+s24+$0x0] =	vst.idx.add.f32.msk $0xffff, v11  }
0x1d4: {  	[tilespmem:v6+s25+$0x0] =	vst.idx.add.f32.msk $0xffff, v2  }
0x1d5: {  	[tilespmem:v12+s23+$0x0] =	vst.idx.add.f32.msk $0xffff, v16  }
0x1d6: {  	[tilespmem:v12+s24+$0x0] =	vst.idx.add.f32.msk $0xffff, v22  }
0x1d7: {  	[tilespmem:v12+s25+$0x0] =	vst.idx.add.f32.msk $0xffff, v2  }
0x1d8: {  	[tilespmem:v9+s23+$0x0] =	vst.idx.add.f32.msk $0xffff, v33  }
0x1d9: {  	v6 =	vor.u32 v1, v23;
	[tilespmem:v9+s24+$0x0] =	vst.idx.add.f32.msk $0xffff, v7  }
0x1da: {  	[tilespmem:v9+s25+$0x0] =	vst.idx.add.f32.msk $0xffff, v2  }
0x1db: {  	[tilespmem:v17+s23+$0x0] =	vst.idx.add.f32.msk $0xffff, v19  }
0x1dc: {  	v7 =	vor.u32 v1, v48;
	[tilespmem:v17+s24+$0x0] =	vst.idx.add.f32.msk $0xffff, v15  }
0x1dd: {  	[tilespmem:v17+s25+$0x0] =	vst.idx.add.f32.msk $0xffff, v2  }
0x1de: {  	[tilespmem:v6+s23+$0x0] =	vst.idx.add.f32.msk $0xffff, v14  }
0x1df: {  	v9 =	vor.u32 v1, v43;
	[tilespmem:v6+s24+$0x0] =	vst.idx.add.f32.msk $0xffff, v13  }
0x1e0: {  	[tilespmem:v6+s25+$0x0] =	vst.idx.add.f32.msk $0xffff, v2  }
0x1e1: {  	[tilespmem:v7+s23+$0x0] =	vst.idx.add.f32.msk $0xffff, v30  }
0x1e2: {  	v5 =	vor.u32 v1, v5;
	[tilespmem:v7+s24+$0x0] =	vst.idx.add.f32.msk $0xffff, v20  }
0x1e3: {  	[tilespmem:v7+s25+$0x0] =	vst.idx.add.f32.msk $0xffff, v2  }
0x1e4: {  	[tilespmem:v9+s23+$0x0] =	vst.idx.add.f32.msk $0xffff, v10  }
0x1e5: {  	v6 =	vor.u32 v1, v32;
	v7 =	vmul.f32 v8, v34;
	[tilespmem:v9+s24+$0x0] =	vst.idx.add.f32.msk $0xffff, v21  }
0x1e6: {  	[tilespmem:v9+s25+$0x0] =	vst.idx.add.f32.msk $0xffff, v2  }
.Ltmp1:
0x1e7: {  	[tilespmem:v5+s23+$0x0] =	vst.idx.add.f32.msk $0xffff, v7;
	(pc) =	sbr.rel @p1 .LBB2_5-.Ltmp1, $4  }
0x1e8: {  	[tilespmem:v5+s24+$0x0] =	vst.idx.add.f32.msk $0xffff, v3  }
0x1e9: {  	[tilespmem:v5+s25+$0x0] =	vst.idx.add.f32.msk $0xffff, v2  }
0x1ea: {  	[tilespmem:v6+s23+$0x0] =	vst.idx.add.f32.msk $0xffff, v4  }
0x1eb: {  	[tilespmem:v6+s24+$0x0] =	vst.idx.add.f32.msk $0xffff, v24  }
0x1ec: {  	s4 =	sadd.s32 $0x6000, s4  }
0x1ed: {  	s4 =	simm.s32 @p0 $0x0  }
0x1ee: {  	s4 =	sadd.s32 s6, s4  }
0x1ef: {  	s0 =	sadd.s32 $0x1, s0;
	s4 =	sshrl.u32 s4, $0x3  }
0x1f0: {  	[tilespmem:v6+s25+$0x0] =	vst.idx.add.f32.msk $0xffff, v2;
	p0 =	sne.s32 s0, $0x10;
	s7 =	sadd.s32 s1, s4  }
0x1f1: {  	[tilespmem:s19], [sflag:$0x2] =	stream.linear.gather [hbm4b:s7+s5], $0x2000, $0x38;
	[tilespmem:$0xC300] =	vst v63  }
.Ltmp2:
0x1f2: {  	_ = 	snop;
	(pc) =	sbr.rel @p0 .LBB2_2-.Ltmp2, $4  }
0x1f3: {  	s8 =	sadd.s32 s2, s4  }
0x1f4: {  	[tilespmem:s20], [sflag:$0x2] =	stream.linear.gather [hbm4b:s8+s5], $0x2000, $0x38;
	[tilespmem:$0xC300] =	vst v63  }
0x1f5: {  	s4 =	sadd.s32 s3, s4  }
0x1f6: {  	[tilespmem:s21], [sflag:$0x2] =	stream.linear.gather [hbm4b:s4+s5], $0x2000, $0x38;
	[tilespmem:$0xC300] =	vst v63  }
0x1f7: {  	_ =	swait.ge [sflag:s22], $0x2000  }
0x1f8: {  	[sflag:s22] =	ssyncset.done $0x0  }
0x1f9: {  	[sflag:s22] =	ssyncadd.s32 $0xFFFFE000  }
0x1fa: {  	_ =	swait.ge [sflag:s22], $0x2000  }
0x1fb: {  	[sflag:s22] =	ssyncset.done $0x0  }
0x1fc: {  	[sflag:s22] =	ssyncadd.s32 $0xFFFFE000  }
0x1fd: {  	_ =	swait.ge [sflag:s22], $0x2000  }
0x1fe: {  	[sflag:s22] =	ssyncset.done $0x0  }
0x1ff: {  	[sflag:s22] =	ssyncadd.s32 $0xFFFFE000  }
0x200: {  	_ =	swait.ge [sflag:s26], $0x2000  }
0x201: {  	[sflag:s26] =	ssyncset.done $0x0  }
0x202: {  	[sflag:s26] =	ssyncadd.s32 $0xFFFFE000  }
0x203: {  	_ =	swait.ge [sflag:s26], $0x2000  }
0x204: {  	[sflag:s26] =	ssyncset.done $0x0  }
0x205: {  	[sflag:s26] =	ssyncadd.s32 $0xFFFFE000  }
0x206: {  	_ =	swait.ge [sflag:s26], $0x2000  }
0x207: {  	[sflag:s26] =	ssyncset.done $0x0  }
0x208: {  	[sflag:s26] =	ssyncadd.s32 $0xFFFFE000  }
0x209: {  	[hbm4b:s13+s28] =	stream.strided.scatter [tilespmem:s23], [sflag:$0x3], $0x100, s29, s28, $0x38;
	[tilespmem:$0xC300] =	vst v63  }
0x20a: {  	_ =	swait.ge [sflag:s30], $0x100  }
0x20b: {  	[sflag:s30] =	ssyncset.done $0x0  }
0x20c: {  	[sflag:s30] =	ssyncadd.s32 $0xFFFFFF00  }
0x20d: {  	[hbm4b:s14+s28] =	stream.strided.scatter [tilespmem:s24], [sflag:$0x3], $0x100, s29, s28, $0x38;
	[tilespmem:$0xC300] =	vst v63  }
0x20e: {  	s31 =	sadd.s32 $0x1, s31;
	_ =	swait.ge [sflag:s30], $0x100  }
0x20f: {  	p0 =	sne.s32 s31, s16;
	[sflag:s30] =	ssyncset.done $0x0  }
.Ltmp3:
0x210: {  	[sflag:s30] =	ssyncadd.s32 $0xFFFFFF00;
	(pc) =	sbr.rel @p0 .LBB2_1-.Ltmp3, $4  }
0x211: {  	[hbm4b:s15+s28] =	stream.strided.scatter [tilespmem:s25], [sflag:$0x3], $0x100, s29, s28, $0x38;
	[tilespmem:$0xC300] =	vst v63  }
0x212: {  	_ =	swait.ge [sflag:s30], $0x100  }
0x213: {  	[sflag:s30] =	ssyncset.done $0x0  }
0x214: {  	[sflag:s30] =	ssyncadd.s32 $0xFFFFFF00  }
0x215: {  	_ =	sfence.sel $0x180000  }
0x216: {  	[bflag:$0x0] =	sbarrier.arrive $0xFFFF  }
0x217: {  	_ =	strace $0x90000047  }
0x218: {  	s0 =	stileid.u32;
	[bflag:$0x2] =	sbarrier.arrive $0xFFFF  }
0x219: {  	p0 =	sne.s32 s0, $0x0;
	s0 =	rddreg [dreg:$0x4]  }
0x21a: {  	s0 =	sadd.s32 @!p0 $0x100000, s0  }
0x21b: {  	[sflag:s0] =	ssyncadd.tile.s32 @!p0 $0x1;
	_ =	shalt  }
.Lfunc_end2:
_tile_overlayer_lowered:
.L_overlay_start_2:
0x21c: {  	(tag) =	ssettag $0x2  }
0x21d: {  	s0 =	rddreg [dreg:$0x0];
	s2 =	stileid.u32  }
0x21e: {  	s1 =	rddreg [dreg:$0x1];
	p0 =	sne.s32 s2, $0x0  }
0x21f: {  	s3 =	rddreg [dreg:$0x2];
	[bflag:$0x3] =	sbarrier.arrive $0xFFFF;
	s2 =	simm.s32 @!p0 $0x1C03  }
0x220: {  	[timem:s3], [sflag:s2] =	dma.local @!p0 [hbm:s0], s1  }
0x221: {  	s0 =	simm.s32 @!p0 $0x3  }
0x222: {  	_ =	swait.ge @!p0 [sflag:s0], s1  }
0x223: {  	s1 =	ssub.s32 @!p0 $0x0, s1;
	[sflag:s0] =	ssyncset.done @!p0 $0x0  }
0x224: {  	[sflag:s0] =	ssyncadd.s32 @!p0 s1  }
0x225: {  	[bflag:$0x3] =	sbarrier.arrive $0xFFFF  }
0x226: {  	_ =	shalt  }

</sc_bundles>
